<compile_context>
chip_gen: v7x
topology: tpu7x:2x2x1
jax: 0.10.2.dev20260603
libtpu: 0.0.44.dev20260713+nightly
codegen_flags: <defaults>
</compile_context>

<pallas_src>
import functools

import jax
import jax.numpy as jnp
from jax import lax
from jax.experimental import pallas as pl
from jax.experimental.pallas import tpu as pltpu
from jax.experimental.pallas import tpu_sc as plsc

N = 268
E = 8576
L = 16
NP = 272


def _sc_build_adjacency(ei, ea):
    g = ea.shape[0]
    info = plsc.get_sparse_core_info()
    nc, ns = info.num_cores, info.num_subcores
    assert nc * ns == g

    mesh = plsc.VectorSubcoreMesh(core_axis_name="c", subcore_axis_name="s")

    @functools.partial(
        pl.kernel,
        mesh=mesh,
        out_type=jax.ShapeDtypeStruct((g * NP, NP), jnp.float32),
        scratch_types=[
            pltpu.VMEM((E,), jnp.int32),
            pltpu.VMEM((E,), jnp.int32),
            pltpu.VMEM((E,), jnp.float32),
            pltpu.VMEM((NP, NP), jnp.float32),
            pltpu.SemaphoreType.DMA,
        ],
        compiler_params=pltpu.CompilerParams(needs_layout_passes=False),
    )
    def scatter_kernel(ei_h, ea_h, o_h, src_v, dst_v, ew_v, a_v, sem):
        w = lax.axis_index("s") * nc + lax.axis_index("c")
        zeros16 = jnp.zeros((L,), jnp.float32)

        cps = [pltpu.async_copy(ei_h.at[w, 0], src_v, sem),
               pltpu.async_copy(ei_h.at[w, 1], dst_v, sem),
               pltpu.async_copy(ea_h.at[w], ew_v, sem)]

        @plsc.parallel_loop(0, NP)
        def _zero(i):
            for j in range(NP // L):
                a_v[i, pl.ds(j * L, L)] = zeros16

        for cp in cps:
            cp.wait()

        @plsc.parallel_loop(0, E // L, unroll=4)
        def _scat(i):
            s = src_v[pl.ds(i * L, L)]
            d = dst_v[pl.ds(i * L, L)]
            v = ew_v[pl.ds(i * L, L)]
            plsc.addupdate_scatter(a_v, [d, s], v)

        pltpu.sync_copy(a_v, o_h.at[pl.ds(w * NP, NP)])

    return scatter_kernel(ei, ea)


def _tc_body(x_ref, a_ref, w1_ref, b1_ref, w4_ref, b4_ref, wc1_ref, bc1_ref,
             wc2_ref, bc2_ref, out_ref):
    f32 = jnp.float32
    hi = lax.Precision.DEFAULT

    def mm(p, q):
        return lax.dot_general(p, q, (((1,), (0,)), ((), ())),
                               precision=hi, preferred_element_type=f32)

    gb = x_ref.shape[0]
    ks = range(gb)
    xs = [x_ref[k] for k in ks]
    avs = [a_ref[k * NP:k * NP + N, :N] for k in ks]

    s_mats = []
    for k in ks:
        deg_r = jnp.sum(avs[k], axis=0, keepdims=True)
        dis_r = jnp.where(deg_r > 0,
                          lax.rsqrt(jnp.where(deg_r > 0, deg_r, 1.0)), 0.0)
        dis_c = jnp.transpose(dis_r)
        s_mats.append((dis_c * avs[k]) * dis_r)

    p = [mm(xs[k], w1_ref[...]) for k in ks]
    sp2 = [mm(s_mats[k], p[k][:, 64:96]) for k in ks]
    sall = [mm(s_mats[k], p[k][:, 32:64] - 2.0 * sp2[k]) for k in ks]
    h = [jnp.maximum(p[k][:, 0:32] - sall[k] + b1_ref[...], 0.0) for k in ks]

    q = [mm(h[k], w4_ref[...]) for k in ks]
    sq2 = [mm(s_mats[k], q[k][:, 64:96]) for k in ks]
    sall2 = [mm(s_mats[k], q[k][:, 32:64] - 2.0 * sq2[k]) for k in ks]
    z = [q[k][:, 0:32] - sall2[k] + b4_ref[...] for k in ks]

    zc = [lax.dot_general(z[k], wc1_ref[...], (((0,), (0,)), ((), ())),
                          precision=hi, preferred_element_type=f32)
          for k in ks]
    zc = [jnp.maximum(zc[k] + bc1_ref[...], 0.0) for k in ks]
    for k in ks:
        out_ref[k] = mm(zc[k], wc2_ref[...]) + bc2_ref[...]


def _tc_dense(x_all, a_all, w1c, b1, w4c, b4, wc1, bc1, wc2, bc2,
              interpret=False):
    g = x_all.shape[0]
    nclass = 32
    nout = wc2.shape[-1]

    gb = 8
    full = lambda shape: pl.BlockSpec(shape, lambda i: (0,) * len(shape))
    grid_spec = pl.GridSpec(
        grid=(g // gb,),
        in_specs=[
            pl.BlockSpec((gb, N, N), lambda i: (i, 0, 0)),
            pl.BlockSpec((gb * NP, NP), lambda i: (i, 0)),
            full(w1c.shape),
            full((1, b1.shape[0])),
            full(w4c.shape),
            full((1, b4.shape[0])),
            full(wc1.shape),
            full((1, bc1.shape[0])),
            full(wc2.shape),
            full((1, bc2.shape[0])),
        ],
        out_specs=pl.BlockSpec((gb, nclass, nout), lambda i: (i, 0, 0)),
    )
    return pl.pallas_call(
        _tc_body,
        grid_spec=grid_spec,
        out_shape=jax.ShapeDtypeStruct((g, nclass, nout), jnp.float32),
        interpret=interpret,
    )(x_all, a_all, w1c, b1.reshape(1, -1), w4c, b4.reshape(1, -1),
      wc1, bc1.reshape(1, -1), wc2, bc2.reshape(1, -1))


def kernel(x1, edge_index1, edge_attr1, x2, edge_index2, edge_attr2,
           W1, b1, W4, b4, Wc1, bc1, Wc2, bc2):
    g = x1.shape[0]
    ei1 = edge_index1.astype(jnp.int32)
    ei2 = edge_index2.astype(jnp.int32)
    ea1 = edge_attr1.astype(jnp.float32)
    ea2 = edge_attr2.astype(jnp.float32)

    a1 = _sc_build_adjacency(ei1, ea1)
    a2 = _sc_build_adjacency(ei2, ea2)

    w1c = jnp.concatenate([W1[0] - W1[2], W1[1], W1[2]], axis=1)
    w4c = jnp.concatenate([W4[0] - W4[2], W4[1], W4[2]], axis=1)

    out1 = _tc_dense(x1, a1, w1c, b1, w4c, b4, Wc1, bc1, Wc2, bc2)
    out2 = _tc_dense(x2, a2, w1c, b1, w4c, b4, Wc1, bc1, Wc2, bc2)
    return out1, out2

# --- scband reference (transcript-rebuilt; emitter-appended) ---
"""Pipeline reference for scband-siamese-geo-cheby-conv-54451595379148 (READ-ONLY COPY).

The authoritative reference and input builder live on the scoring server;
editing this copy changes nothing except your own understanding.
"""

import jax, jax.numpy as jnp
import numpy as np

N_NODES = 268


def cheb_conv(x, src, dst, ew, W, b):
    # PyG ChebConv with K=3, sym normalization, lambda_max=2.0:
    # L_hat = -D^{-1/2} A D^{-1/2} (zero diagonal after fill_value=-1 self loops)
    deg = jax.ops.segment_sum(ew, src, num_segments=N_NODES)
    dis = jnp.where(deg > 0, 1.0 / jnp.sqrt(jnp.where(deg > 0, deg, 1.0)), 0.0)
    norm = -dis[src] * ew * dis[dst]

    def prop(h):
        return jax.ops.segment_sum(norm[:, None] * h[src], dst, num_segments=N_NODES)

    Tx0 = x
    Tx1 = prop(Tx0)
    Tx2 = 2.0 * prop(Tx1) - Tx0
    out = Tx0 @ W[0] + Tx1 @ W[1] + Tx2 @ W[2] + b
    return out


def forward_single(x, ei, ew, params):
    src, dst = ei[0], ei[1]
    h = cheb_conv(x, src, dst, ew, params['W1'], params['b1'])
    h = jax.nn.relu(h)
    # dropout is identity at eval time
    h = cheb_conv(h, src, dst, ew, params['W4'], params['b4'])
    z = h.T  # [nclass, 268]
    z = jax.nn.relu(z @ params['Wc1'] + params['bc1'])
    z = z @ params['Wc2'] + params['bc2']
    return z  # [nclass, 60]


def glorot(k, shape):
    fan = shape[-2] + shape[-1]
    return jax.random.uniform(k, shape, jnp.float32, -1.0, 1.0) * np.sqrt(6.0 / fan)


def setup_inputs(seed: int = 0):
    key = jax.random.key(seed)
    ks = jax.random.split(key, 12)
    G, N, E = 32, 268, 8576
    nfeat, nhid, nclass = 268, 32, 32
    inp = {}
    inp['x1'] = jax.random.normal(ks[0], (G, N, nfeat), dtype=jnp.float32)
    inp['edge_index1'] = jax.random.randint(ks[1], (G, 2, E), 0, N, dtype=jnp.int64)
    inp['edge_attr1'] = jax.random.uniform(ks[2], (G, E), dtype=jnp.float32)
    inp['x2'] = jax.random.normal(ks[3], (G, N, nfeat), dtype=jnp.float32)
    inp['edge_index2'] = jax.random.randint(ks[4], (G, 2, E), 0, N, dtype=jnp.int64)
    inp['edge_attr2'] = jax.random.uniform(ks[5], (G, E), dtype=jnp.float32)
    inp['W1'] = glorot(ks[6], (3, nfeat, nhid))
    inp['b1'] = jnp.zeros((nhid,), jnp.float32)
    inp['W4'] = glorot(ks[7], (3, nhid, nclass))
    inp['b4'] = jnp.zeros((nclass,), jnp.float32)
    inp['Wc1'] = glorot(ks[8], (N, 100))
    inp['bc1'] = jnp.zeros((100,), jnp.float32)
    inp['Wc2'] = glorot(ks[9], (100, 60))
    inp['bc2'] = jnp.zeros((60,), jnp.float32)
    return inp


def reference(x1, edge_index1, edge_attr1, x2, edge_index2, edge_attr2, W1, b1, W4, b4, Wc1, bc1, Wc2, bc2):
    params = dict(W1=W1, b1=b1, W4=W4, b4=b4, Wc1=Wc1, bc1=bc1, Wc2=Wc2, bc2=bc2)

    def f(x, ei, ew):
        return forward_single(x, ei, ew, params)

    out1 = jax.vmap(f)(x1, edge_index1, edge_attr1)
    out2 = jax.vmap(f)(x2, edge_index2, edge_attr2)
    return (out1, out2)

if __name__ == "__main__":
    import jax
    _d = setup_inputs()
    print(jax.jit(kernel)(*tuple(_d.values())))

</pallas_src>

<mosaic_0001>
#map = affine_map<(d0, d1) -> (0, 0, 0)>
#map1 = affine_map<(d0, d1) -> (0, 0)>
module attributes {stable_mosaic.version = 14 : i64} {
  func.func @scatter_kernel(%arg0: i32, %arg1: i32, %arg2: memref<32x2x8576xi32, #tpu.memory_space<hbm>>, %arg3: memref<32x8576xf32, #tpu.memory_space<hbm>>, %arg4: memref<8704x272xf32, #tpu.memory_space<hbm>>, %arg5: memref<8576xi32, #tpu.memory_space<vmem>>, %arg6: memref<8576xi32, #tpu.memory_space<vmem>>, %arg7: memref<8576xf32, #tpu.memory_space<vmem>>, %arg8: memref<272x272xf32, #tpu.memory_space<vmem>>, %arg9: memref<!tpu.dma_semaphore, #tpu.memory_space<semaphore_mem>>) attributes {dimension_semantics = [#tpu.dimension_semantics<core_parallel>, #tpu.dimension_semantics<subcore_parallel>], iteration_bounds = array<i64: 2, 16>, scalar_prefetch = 0 : i64, scratch_operands = 5 : i64, tpu.core_type = #tpu.core_type<sc_vector_subcore>, window_params = [{transform_indices = #map}, {transform_indices = #map1}, {transform_indices = #map1}]} {
    %mul3A = arith.constant 2 : i32
    %mul3A_0 = arith.muli %arg1, %mul3A : i32
    %add3A = arith.addi %mul3A_0, %arg0 : i32
    %broadcast_in_dim3A = arith.constant 0.000000e+00 : f32
    %broadcast_in_dim3A_1 = vector.broadcast %broadcast_in_dim3A : f32 to vector<16xf32>
    %dma_start3A = arith.constant 0 : i32
    %dma_start3A_2 = arith.constant 0 : i32
    %dma_start3A_3 = tpu.memref_slice %arg2[%add3A, %dma_start3A, %dma_start3A_2] : memref<32x2x8576xi32, #tpu.memory_space<hbm>> -> memref<1x1x8576xi32, #tpu.memory_space<hbm>>
    %dma_start3A_4 = tpu.memref_squeeze %dma_start3A_3 : memref<1x1x8576xi32, #tpu.memory_space<hbm>> -> memref<8576xi32, #tpu.memory_space<hbm>>
    %dma_start3A_5 = arith.constant 0 : i32
    %dma_start3A_6 = tpu.memref_slice %arg2[%add3A, %dma_start3A, %dma_start3A_5] : memref<32x2x8576xi32, #tpu.memory_space<hbm>> -> memref<1x1x8576xi32, #tpu.memory_space<hbm>>
    %dma_start3A_7 = tpu.memref_squeeze %dma_start3A_6 : memref<1x1x8576xi32, #tpu.memory_space<hbm>> -> memref<8576xi32, #tpu.memory_space<hbm>>
    tpu.enqueue_dma source(%dma_start3A_7 : memref<8576xi32, #tpu.memory_space<hbm>>) target(%arg5 : memref<8576xi32, #tpu.memory_space<vmem>>) target_semaphore(%arg9 : memref<!tpu.dma_semaphore, #tpu.memory_space<semaphore_mem>>)
    %dma_start3A_8 = arith.constant 1 : i32
    %dma_start3A_9 = arith.constant 0 : i32
    %dma_start3A_10 = tpu.memref_slice %arg2[%add3A, %dma_start3A_8, %dma_start3A_9] : memref<32x2x8576xi32, #tpu.memory_space<hbm>> -> memref<1x1x8576xi32, #tpu.memory_space<hbm>>
    %dma_start3A_11 = tpu.memref_squeeze %dma_start3A_10 : memref<1x1x8576xi32, #tpu.memory_space<hbm>> -> memref<8576xi32, #tpu.memory_space<hbm>>
    %dma_start3A_12 = arith.constant 0 : i32
    %dma_start3A_13 = tpu.memref_slice %arg2[%add3A, %dma_start3A_8, %dma_start3A_12] : memref<32x2x8576xi32, #tpu.memory_space<hbm>> -> memref<1x1x8576xi32, #tpu.memory_space<hbm>>
    %dma_start3A_14 = tpu.memref_squeeze %dma_start3A_13 : memref<1x1x8576xi32, #tpu.memory_space<hbm>> -> memref<8576xi32, #tpu.memory_space<hbm>>
    tpu.enqueue_dma source(%dma_start3A_14 : memref<8576xi32, #tpu.memory_space<hbm>>) target(%arg6 : memref<8576xi32, #tpu.memory_space<vmem>>) target_semaphore(%arg9 : memref<!tpu.dma_semaphore, #tpu.memory_space<semaphore_mem>>)
    %dma_start3A_15 = arith.constant 0 : i32
    %dma_start3A_16 = tpu.memref_slice %arg3[%add3A, %dma_start3A_15] : memref<32x8576xf32, #tpu.memory_space<hbm>> -> memref<1x8576xf32, #tpu.memory_space<hbm>>
    %dma_start3A_17 = tpu.memref_squeeze %dma_start3A_16 : memref<1x8576xf32, #tpu.memory_space<hbm>> -> memref<8576xf32, #tpu.memory_space<hbm>>
    %dma_start3A_18 = arith.constant 0 : i32
    %dma_start3A_19 = tpu.memref_slice %arg3[%add3A, %dma_start3A_18] : memref<32x8576xf32, #tpu.memory_space<hbm>> -> memref<1x8576xf32, #tpu.memory_space<hbm>>
    %dma_start3A_20 = tpu.memref_squeeze %dma_start3A_19 : memref<1x8576xf32, #tpu.memory_space<hbm>> -> memref<8576xf32, #tpu.memory_space<hbm>>
    tpu.enqueue_dma source(%dma_start3A_20 : memref<8576xf32, #tpu.memory_space<hbm>>) target(%arg7 : memref<8576xf32, #tpu.memory_space<vmem>>) target_semaphore(%arg9 : memref<!tpu.dma_semaphore, #tpu.memory_space<semaphore_mem>>)
    %parallel_loop3A = arith.constant 0 : i32
    %parallel_loop3A_21 = arith.constant 272 : i32
    %parallel_loop3A_22 = arith.constant 1 : i32
    scf.for %parallel_loop3A_47 = %parallel_loop3A to %parallel_loop3A_21 step %parallel_loop3A_22  : i32 {
      %parallel_loop3A_48 = arith.index_cast %parallel_loop3A_47 : i32 to index
      %parallel_loop3A_49 = arith.constant 0 : index
      %parallel_loop3A_50 = tpu.vector_load %arg8[%parallel_loop3A_48, %parallel_loop3A_49] {strides = array<i32>} : memref<272x272xf32, #tpu.memory_space<vmem>>, vector<16xf32>,
      tpu.vector_store %arg8[%parallel_loop3A_48, %parallel_loop3A_49], %broadcast_in_dim3A_1 {strides = array<i32>} : memref<272x272xf32, #tpu.memory_space<vmem>>, vector<16xf32>,
      %parallel_loop3A_51 = arith.index_cast %parallel_loop3A_47 : i32 to index
      %parallel_loop3A_52 = arith.constant 16 : index
      %parallel_loop3A_53 = tpu.vector_load %arg8[%parallel_loop3A_51, %parallel_loop3A_52] {strides = array<i32>} : memref<272x272xf32, #tpu.memory_space<vmem>>, vector<16xf32>,
      tpu.vector_store %arg8[%parallel_loop3A_51, %parallel_loop3A_52], %broadcast_in_dim3A_1 {strides = array<i32>} : memref<272x272xf32, #tpu.memory_space<vmem>>, vector<16xf32>,
      %parallel_loop3A_54 = arith.index_cast %parallel_loop3A_47 : i32 to index
      %parallel_loop3A_55 = arith.constant 32 : index
      %parallel_loop3A_56 = tpu.vector_load %arg8[%parallel_loop3A_54, %parallel_loop3A_55] {strides = array<i32>} : memref<272x272xf32, #tpu.memory_space<vmem>>, vector<16xf32>,
      tpu.vector_store %arg8[%parallel_loop3A_54, %parallel_loop3A_55], %broadcast_in_dim3A_1 {strides = array<i32>} : memref<272x272xf32, #tpu.memory_space<vmem>>, vector<16xf32>,
      %parallel_loop3A_57 = arith.index_cast %parallel_loop3A_47 : i32 to index
      %parallel_loop3A_58 = arith.constant 48 : index
      %parallel_loop3A_59 = tpu.vector_load %arg8[%parallel_loop3A_57, %parallel_loop3A_58] {strides = array<i32>} : memref<272x272xf32, #tpu.memory_space<vmem>>, vector<16xf32>,
      tpu.vector_store %arg8[%parallel_loop3A_57, %parallel_loop3A_58], %broadcast_in_dim3A_1 {strides = array<i32>} : memref<272x272xf32, #tpu.memory_space<vmem>>, vector<16xf32>,
      %parallel_loop3A_60 = arith.index_cast %parallel_loop3A_47 : i32 to index
      %parallel_loop3A_61 = arith.constant 64 : index
      %parallel_loop3A_62 = tpu.vector_load %arg8[%parallel_loop3A_60, %parallel_loop3A_61] {strides = array<i32>} : memref<272x272xf32, #tpu.memory_space<vmem>>, vector<16xf32>,
      tpu.vector_store %arg8[%parallel_loop3A_60, %parallel_loop3A_61], %broadcast_in_dim3A_1 {strides = array<i32>} : memref<272x272xf32, #tpu.memory_space<vmem>>, vector<16xf32>,
      %parallel_loop3A_63 = arith.index_cast %parallel_loop3A_47 : i32 to index
      %parallel_loop3A_64 = arith.constant 80 : index
      %parallel_loop3A_65 = tpu.vector_load %arg8[%parallel_loop3A_63, %parallel_loop3A_64] {strides = array<i32>} : memref<272x272xf32, #tpu.memory_space<vmem>>, vector<16xf32>,
      tpu.vector_store %arg8[%parallel_loop3A_63, %parallel_loop3A_64], %broadcast_in_dim3A_1 {strides = array<i32>} : memref<272x272xf32, #tpu.memory_space<vmem>>, vector<16xf32>,
      %parallel_loop3A_66 = arith.index_cast %parallel_loop3A_47 : i32 to index
      %parallel_loop3A_67 = arith.constant 96 : index
      %parallel_loop3A_68 = tpu.vector_load %arg8[%parallel_loop3A_66, %parallel_loop3A_67] {strides = array<i32>} : memref<272x272xf32, #tpu.memory_space<vmem>>, vector<16xf32>,
      tpu.vector_store %arg8[%parallel_loop3A_66, %parallel_loop3A_67], %broadcast_in_dim3A_1 {strides = array<i32>} : memref<272x272xf32, #tpu.memory_space<vmem>>, vector<16xf32>,
      %parallel_loop3A_69 = arith.index_cast %parallel_loop3A_47 : i32 to index
      %parallel_loop3A_70 = arith.constant 112 : index
      %parallel_loop3A_71 = tpu.vector_load %arg8[%parallel_loop3A_69, %parallel_loop3A_70] {strides = array<i32>} : memref<272x272xf32, #tpu.memory_space<vmem>>, vector<16xf32>,
      tpu.vector_store %arg8[%parallel_loop3A_69, %parallel_loop3A_70], %broadcast_in_dim3A_1 {strides = array<i32>} : memref<272x272xf32, #tpu.memory_space<vmem>>, vector<16xf32>,
      %parallel_loop3A_72 = arith.index_cast %parallel_loop3A_47 : i32 to index
      %parallel_loop3A_73 = arith.constant 128 : index
      %parallel_loop3A_74 = tpu.vector_load %arg8[%parallel_loop3A_72, %parallel_loop3A_73] {strides = array<i32>} : memref<272x272xf32, #tpu.memory_space<vmem>>, vector<16xf32>,
      tpu.vector_store %arg8[%parallel_loop3A_72, %parallel_loop3A_73], %broadcast_in_dim3A_1 {strides = array<i32>} : memref<272x272xf32, #tpu.memory_space<vmem>>, vector<16xf32>,
      %parallel_loop3A_75 = arith.index_cast %parallel_loop3A_47 : i32 to index
      %parallel_loop3A_76 = arith.constant 144 : index
      %parallel_loop3A_77 = tpu.vector_load %arg8[%parallel_loop3A_75, %parallel_loop3A_76] {strides = array<i32>} : memref<272x272xf32, #tpu.memory_space<vmem>>, vector<16xf32>,
      tpu.vector_store %arg8[%parallel_loop3A_75, %parallel_loop3A_76], %broadcast_in_dim3A_1 {strides = array<i32>} : memref<272x272xf32, #tpu.memory_space<vmem>>, vector<16xf32>,
      %parallel_loop3A_78 = arith.index_cast %parallel_loop3A_47 : i32 to index
      %parallel_loop3A_79 = arith.constant 160 : index
      %parallel_loop3A_80 = tpu.vector_load %arg8[%parallel_loop3A_78, %parallel_loop3A_79] {strides = array<i32>} : memref<272x272xf32, #tpu.memory_space<vmem>>, vector<16xf32>,
      tpu.vector_store %arg8[%parallel_loop3A_78, %parallel_loop3A_79], %broadcast_in_dim3A_1 {strides = array<i32>} : memref<272x272xf32, #tpu.memory_space<vmem>>, vector<16xf32>,
      %parallel_loop3A_81 = arith.index_cast %parallel_loop3A_47 : i32 to index
      %parallel_loop3A_82 = arith.constant 176 : index
      %parallel_loop3A_83 = tpu.vector_load %arg8[%parallel_loop3A_81, %parallel_loop3A_82] {strides = array<i32>} : memref<272x272xf32, #tpu.memory_space<vmem>>, vector<16xf32>,
      tpu.vector_store %arg8[%parallel_loop3A_81, %parallel_loop3A_82], %broadcast_in_dim3A_1 {strides = array<i32>} : memref<272x272xf32, #tpu.memory_space<vmem>>, vector<16xf32>,
      %parallel_loop3A_84 = arith.index_cast %parallel_loop3A_47 : i32 to index
      %parallel_loop3A_85 = arith.constant 192 : index
      %parallel_loop3A_86 = tpu.vector_load %arg8[%parallel_loop3A_84, %parallel_loop3A_85] {strides = array<i32>} : memref<272x272xf32, #tpu.memory_space<vmem>>, vector<16xf32>,
      tpu.vector_store %arg8[%parallel_loop3A_84, %parallel_loop3A_85], %broadcast_in_dim3A_1 {strides = array<i32>} : memref<272x272xf32, #tpu.memory_space<vmem>>, vector<16xf32>,
      %parallel_loop3A_87 = arith.index_cast %parallel_loop3A_47 : i32 to index
      %parallel_loop3A_88 = arith.constant 208 : index
      %parallel_loop3A_89 = tpu.vector_load %arg8[%parallel_loop3A_87, %parallel_loop3A_88] {strides = array<i32>} : memref<272x272xf32, #tpu.memory_space<vmem>>, vector<16xf32>,
      tpu.vector_store %arg8[%parallel_loop3A_87, %parallel_loop3A_88], %broadcast_in_dim3A_1 {strides = array<i32>} : memref<272x272xf32, #tpu.memory_space<vmem>>, vector<16xf32>,
      %parallel_loop3A_90 = arith.index_cast %parallel_loop3A_47 : i32 to index
      %parallel_loop3A_91 = arith.constant 224 : index
      %parallel_loop3A_92 = tpu.vector_load %arg8[%parallel_loop3A_90, %parallel_loop3A_91] {strides = array<i32>} : memref<272x272xf32, #tpu.memory_space<vmem>>, vector<16xf32>,
      tpu.vector_store %arg8[%parallel_loop3A_90, %parallel_loop3A_91], %broadcast_in_dim3A_1 {strides = array<i32>} : memref<272x272xf32, #tpu.memory_space<vmem>>, vector<16xf32>,
      %parallel_loop3A_93 = arith.index_cast %parallel_loop3A_47 : i32 to index
      %parallel_loop3A_94 = arith.constant 240 : index
      %parallel_loop3A_95 = tpu.vector_load %arg8[%parallel_loop3A_93, %parallel_loop3A_94] {strides = array<i32>} : memref<272x272xf32, #tpu.memory_space<vmem>>, vector<16xf32>,
      tpu.vector_store %arg8[%parallel_loop3A_93, %parallel_loop3A_94], %broadcast_in_dim3A_1 {strides = array<i32>} : memref<272x272xf32, #tpu.memory_space<vmem>>, vector<16xf32>,
      %parallel_loop3A_96 = arith.index_cast %parallel_loop3A_47 : i32 to index
      %parallel_loop3A_97 = arith.constant 256 : index
      %parallel_loop3A_98 = tpu.vector_load %arg8[%parallel_loop3A_96, %parallel_loop3A_97] {strides = array<i32>} : memref<272x272xf32, #tpu.memory_space<vmem>>, vector<16xf32>,
      tpu.vector_store %arg8[%parallel_loop3A_96, %parallel_loop3A_97], %broadcast_in_dim3A_1 {strides = array<i32>} : memref<272x272xf32, #tpu.memory_space<vmem>>, vector<16xf32>,
    } {sc.loop_unroll_factor = 1 : i64, sc.parallel_access}
    %dma_wait3A = arith.constant 0 : i32
    %dma_wait3A_23 = arith.constant 0 : i32
    %dma_wait3A_24 = tpu.memref_slice %arg2[%add3A, %dma_wait3A, %dma_wait3A_23] : memref<32x2x8576xi32, #tpu.memory_space<hbm>> -> memref<1x1x8576xi32, #tpu.memory_space<hbm>>
    %dma_wait3A_25 = tpu.memref_squeeze %dma_wait3A_24 : memref<1x1x8576xi32, #tpu.memory_space<hbm>> -> memref<8576xi32, #tpu.memory_space<hbm>>
    %dma_wait3A_26 = arith.constant 0 : i32
    %dma_wait3A_27 = tpu.memref_slice %arg2[%add3A, %dma_wait3A, %dma_wait3A_26] : memref<32x2x8576xi32, #tpu.memory_space<hbm>> -> memref<1x1x8576xi32, #tpu.memory_space<hbm>>
    %dma_wait3A_28 = tpu.memref_squeeze %dma_wait3A_27 : memref<1x1x8576xi32, #tpu.memory_space<hbm>> -> memref<8576xi32, #tpu.memory_space<hbm>>
    tpu.wait_dma2 semaphore(%arg9 : memref<!tpu.dma_semaphore, #tpu.memory_space<semaphore_mem>>) src(%dma_wait3A_28 : memref<8576xi32, #tpu.memory_space<hbm>>) dst(%arg5 : memref<8576xi32, #tpu.memory_space<vmem>>)
    %dma_wait3A_29 = arith.constant 1 : i32
    %dma_wait3A_30 = arith.constant 0 : i32
    %dma_wait3A_31 = tpu.memref_slice %arg2[%add3A, %dma_wait3A_29, %dma_wait3A_30] : memref<32x2x8576xi32, #tpu.memory_space<hbm>> -> memref<1x1x8576xi32, #tpu.memory_space<hbm>>
    %dma_wait3A_32 = tpu.memref_squeeze %dma_wait3A_31 : memref<1x1x8576xi32, #tpu.memory_space<hbm>> -> memref<8576xi32, #tpu.memory_space<hbm>>
    %dma_wait3A_33 = arith.constant 0 : i32
    %dma_wait3A_34 = tpu.memref_slice %arg2[%add3A, %dma_wait3A_29, %dma_wait3A_33] : memref<32x2x8576xi32, #tpu.memory_space<hbm>> -> memref<1x1x8576xi32, #tpu.memory_space<hbm>>
    %dma_wait3A_35 = tpu.memref_squeeze %dma_wait3A_34 : memref<1x1x8576xi32, #tpu.memory_space<hbm>> -> memref<8576xi32, #tpu.memory_space<hbm>>
    tpu.wait_dma2 semaphore(%arg9 : memref<!tpu.dma_semaphore, #tpu.memory_space<semaphore_mem>>) src(%dma_wait3A_35 : memref<8576xi32, #tpu.memory_space<hbm>>) dst(%arg6 : memref<8576xi32, #tpu.memory_space<vmem>>)
    %dma_wait3A_36 = arith.constant 0 : i32
    %dma_wait3A_37 = tpu.memref_slice %arg3[%add3A, %dma_wait3A_36] : memref<32x8576xf32, #tpu.memory_space<hbm>> -> memref<1x8576xf32, #tpu.memory_space<hbm>>
    %dma_wait3A_38 = tpu.memref_squeeze %dma_wait3A_37 : memref<1x8576xf32, #tpu.memory_space<hbm>> -> memref<8576xf32, #tpu.memory_space<hbm>>
    %dma_wait3A_39 = arith.constant 0 : i32
    %dma_wait3A_40 = tpu.memref_slice %arg3[%add3A, %dma_wait3A_39] : memref<32x8576xf32, #tpu.memory_space<hbm>> -> memref<1x8576xf32, #tpu.memory_space<hbm>>
    %dma_wait3A_41 = tpu.memref_squeeze %dma_wait3A_40 : memref<1x8576xf32, #tpu.memory_space<hbm>> -> memref<8576xf32, #tpu.memory_space<hbm>>
    tpu.wait_dma2 semaphore(%arg9 : memref<!tpu.dma_semaphore, #tpu.memory_space<semaphore_mem>>) src(%dma_wait3A_41 : memref<8576xf32, #tpu.memory_space<hbm>>) dst(%arg7 : memref<8576xf32, #tpu.memory_space<vmem>>)
    %parallel_loop3A_42 = arith.constant 0 : i32
    %parallel_loop3A_43 = arith.constant 536 : i32
    %parallel_loop3A_44 = arith.constant 1 : i32
    scf.for %parallel_loop3A_47 = %parallel_loop3A_42 to %parallel_loop3A_43 step %parallel_loop3A_44  : i32 {
      %parallel_loop3A_48 = arith.constant 16 : i32
      %parallel_loop3A_49 = arith.muli %parallel_loop3A_47, %parallel_loop3A_48 : i32
      %parallel_loop3A_50 = arith.index_cast %parallel_loop3A_49 : i32 to index
      %parallel_loop3A_51 = tpu.vector_load %arg5[%parallel_loop3A_50] {strides = array<i32>} : memref<8576xi32, #tpu.memory_space<vmem>>, vector<16xi32>,
      %parallel_loop3A_52 = arith.constant 16 : i32
      %parallel_loop3A_53 = arith.muli %parallel_loop3A_47, %parallel_loop3A_52 : i32
      %parallel_loop3A_54 = arith.index_cast %parallel_loop3A_53 : i32 to index
      %parallel_loop3A_55 = tpu.vector_load %arg6[%parallel_loop3A_54] {strides = array<i32>} : memref<8576xi32, #tpu.memory_space<vmem>>, vector<16xi32>,
      %parallel_loop3A_56 = arith.constant 16 : i32
      %parallel_loop3A_57 = arith.muli %parallel_loop3A_47, %parallel_loop3A_56 : i32
      %parallel_loop3A_58 = arith.index_cast %parallel_loop3A_57 : i32 to index
      %parallel_loop3A_59 = tpu.vector_load %arg7[%parallel_loop3A_58] {strides = array<i32>} : memref<8576xf32, #tpu.memory_space<vmem>>, vector<16xf32>,
      tpu.vector_store_idx %arg8[%parallel_loop3A_55, %parallel_loop3A_51], %parallel_loop3A_59 {add = true} : memref<272x272xf32, #tpu.memory_space<vmem>>[vector<16xi32>, vector<16xi32>], vector<16xf32>,
    } {sc.loop_unroll_factor = 4 : i64, sc.parallel_access}
    %mul3A_45 = arith.constant 272 : i32
    %mul3A_46 = arith.muli %add3A, %mul3A_45 : i32
    "tpu.region"() ({
      %run_scoped3A = tpu.sem_alloc : memref<!tpu.dma_semaphore, #tpu.memory_space<semaphore_mem>>
      %dma_start3A_47 = arith.constant 0 : i32
      %dma_start3A_48 = tpu.memref_slice %arg4[%mul3A_46, %dma_start3A_47] : memref<8704x272xf32, #tpu.memory_space<hbm>> -> memref<272x272xf32, #tpu.memory_space<hbm>>
      %dma_start3A_49 = arith.constant 0 : i32
      %dma_start3A_50 = tpu.memref_slice %arg4[%mul3A_46, %dma_start3A_49] : memref<8704x272xf32, #tpu.memory_space<hbm>> -> memref<272x272xf32, #tpu.memory_space<hbm>>
      tpu.enqueue_dma source(%arg8 : memref<272x272xf32, #tpu.memory_space<vmem>>) target(%dma_start3A_50 : memref<272x272xf32, #tpu.memory_space<hbm>>) target_semaphore(%run_scoped3A : memref<!tpu.dma_semaphore, #tpu.memory_space<semaphore_mem>>)
      %dma_wait3A_51 = arith.constant 0 : i32
      %dma_wait3A_52 = tpu.memref_slice %arg4[%mul3A_46, %dma_wait3A_51] : memref<8704x272xf32, #tpu.memory_space<hbm>> -> memref<272x272xf32, #tpu.memory_space<hbm>>
      %dma_wait3A_53 = arith.constant 0 : i32
      %dma_wait3A_54 = tpu.memref_slice %arg4[%mul3A_46, %dma_wait3A_53] : memref<8704x272xf32, #tpu.memory_space<hbm>> -> memref<272x272xf32, #tpu.memory_space<hbm>>
      tpu.wait_dma2 semaphore(%run_scoped3A : memref<!tpu.dma_semaphore, #tpu.memory_space<semaphore_mem>>) src(%arg8 : memref<272x272xf32, #tpu.memory_space<vmem>>) dst(%dma_wait3A_54 : memref<272x272xf32, #tpu.memory_space<hbm>>)
      tpu.yield
    }) : () -> ()
    return
  }
}

#map = affine_map<(d0, d1) -> (0, 0, 0)>
#map1 = affine_map<(d0, d1) -> (0, 0)>
module attributes {stable_mosaic.version = 14 : i64} {
  func.func @scatter_kernel(%arg0: i32, %arg1: i32, %arg2: memref<32x2x8576xi32, #tpu.memory_space<hbm>>, %arg3: memref<32x8576xf32, #tpu.memory_space<hbm>>, %arg4: memref<8704x272xf32, #tpu.memory_space<hbm>>, %arg5: memref<8576xi32, #tpu.memory_space<vmem>>, %arg6: memref<8576xi32, #tpu.memory_space<vmem>>, %arg7: memref<8576xf32, #tpu.memory_space<vmem>>, %arg8: memref<272x272xf32, #tpu.memory_space<vmem>>, %arg9: memref<!tpu.dma_semaphore, #tpu.memory_space<semaphore_mem>>) attributes {dimension_semantics = [#tpu.dimension_semantics<core_parallel>, #tpu.dimension_semantics<subcore_parallel>], iteration_bounds = array<i64: 2, 16>, scalar_prefetch = 0 : i64, scratch_operands = 5 : i64, tpu.core_type = #tpu.core_type<sc_vector_subcore>, window_params = [{transform_indices = #map}, {transform_indices = #map1}, {transform_indices = #map1}]} {
    %mul3A = arith.constant 2 : i32
    %mul3A_0 = arith.muli %arg1, %mul3A : i32
    %add3A = arith.addi %mul3A_0, %arg0 : i32
    %broadcast_in_dim3A = arith.constant 0.000000e+00 : f32
    %broadcast_in_dim3A_1 = vector.broadcast %broadcast_in_dim3A : f32 to vector<16xf32>
    %dma_start3A = arith.constant 0 : i32
    %dma_start3A_2 = arith.constant 0 : i32
    %dma_start3A_3 = tpu.memref_slice %arg2[%add3A, %dma_start3A, %dma_start3A_2] : memref<32x2x8576xi32, #tpu.memory_space<hbm>> -> memref<1x1x8576xi32, #tpu.memory_space<hbm>>
    %dma_start3A_4 = tpu.memref_squeeze %dma_start3A_3 : memref<1x1x8576xi32, #tpu.memory_space<hbm>> -> memref<8576xi32, #tpu.memory_space<hbm>>
    %dma_start3A_5 = arith.constant 0 : i32
    %dma_start3A_6 = tpu.memref_slice %arg2[%add3A, %dma_start3A, %dma_start3A_5] : memref<32x2x8576xi32, #tpu.memory_space<hbm>> -> memref<1x1x8576xi32, #tpu.memory_space<hbm>>
    %dma_start3A_7 = tpu.memref_squeeze %dma_start3A_6 : memref<1x1x8576xi32, #tpu.memory_space<hbm>> -> memref<8576xi32, #tpu.memory_space<hbm>>
    tpu.enqueue_dma source(%dma_start3A_7 : memref<8576xi32, #tpu.memory_space<hbm>>) target(%arg5 : memref<8576xi32, #tpu.memory_space<vmem>>) target_semaphore(%arg9 : memref<!tpu.dma_semaphore, #tpu.memory_space<semaphore_mem>>)
    %dma_start3A_8 = arith.constant 1 : i32
    %dma_start3A_9 = arith.constant 0 : i32
    %dma_start3A_10 = tpu.memref_slice %arg2[%add3A, %dma_start3A_8, %dma_start3A_9] : memref<32x2x8576xi32, #tpu.memory_space<hbm>> -> memref<1x1x8576xi32, #tpu.memory_space<hbm>>
    %dma_start3A_11 = tpu.memref_squeeze %dma_start3A_10 : memref<1x1x8576xi32, #tpu.memory_space<hbm>> -> memref<8576xi32, #tpu.memory_space<hbm>>
    %dma_start3A_12 = arith.constant 0 : i32
    %dma_start3A_13 = tpu.memref_slice %arg2[%add3A, %dma_start3A_8, %dma_start3A_12] : memref<32x2x8576xi32, #tpu.memory_space<hbm>> -> memref<1x1x8576xi32, #tpu.memory_space<hbm>>
    %dma_start3A_14 = tpu.memref_squeeze %dma_start3A_13 : memref<1x1x8576xi32, #tpu.memory_space<hbm>> -> memref<8576xi32, #tpu.memory_space<hbm>>
    tpu.enqueue_dma source(%dma_start3A_14 : memref<8576xi32, #tpu.memory_space<hbm>>) target(%arg6 : memref<8576xi32, #tpu.memory_space<vmem>>) target_semaphore(%arg9 : memref<!tpu.dma_semaphore, #tpu.memory_space<semaphore_mem>>)
    %dma_start3A_15 = arith.constant 0 : i32
    %dma_start3A_16 = tpu.memref_slice %arg3[%add3A, %dma_start3A_15] : memref<32x8576xf32, #tpu.memory_space<hbm>> -> memref<1x8576xf32, #tpu.memory_space<hbm>>
    %dma_start3A_17 = tpu.memref_squeeze %dma_start3A_16 : memref<1x8576xf32, #tpu.memory_space<hbm>> -> memref<8576xf32, #tpu.memory_space<hbm>>
    %dma_start3A_18 = arith.constant 0 : i32
    %dma_start3A_19 = tpu.memref_slice %arg3[%add3A, %dma_start3A_18] : memref<32x8576xf32, #tpu.memory_space<hbm>> -> memref<1x8576xf32, #tpu.memory_space<hbm>>
    %dma_start3A_20 = tpu.memref_squeeze %dma_start3A_19 : memref<1x8576xf32, #tpu.memory_space<hbm>> -> memref<8576xf32, #tpu.memory_space<hbm>>
    tpu.enqueue_dma source(%dma_start3A_20 : memref<8576xf32, #tpu.memory_space<hbm>>) target(%arg7 : memref<8576xf32, #tpu.memory_space<vmem>>) target_semaphore(%arg9 : memref<!tpu.dma_semaphore, #tpu.memory_space<semaphore_mem>>)
    %parallel_loop3A = arith.constant 0 : i32
    %parallel_loop3A_21 = arith.constant 272 : i32
    %parallel_loop3A_22 = arith.constant 1 : i32
    scf.for %parallel_loop3A_47 = %parallel_loop3A to %parallel_loop3A_21 step %parallel_loop3A_22  : i32 {
      %parallel_loop3A_48 = arith.index_cast %parallel_loop3A_47 : i32 to index
      %parallel_loop3A_49 = arith.constant 0 : index
      %parallel_loop3A_50 = tpu.vector_load %arg8[%parallel_loop3A_48, %parallel_loop3A_49] {strides = array<i32>} : memref<272x272xf32, #tpu.memory_space<vmem>>, vector<16xf32>,
      tpu.vector_store %arg8[%parallel_loop3A_48, %parallel_loop3A_49], %broadcast_in_dim3A_1 {strides = array<i32>} : memref<272x272xf32, #tpu.memory_space<vmem>>, vector<16xf32>,
      %parallel_loop3A_51 = arith.index_cast %parallel_loop3A_47 : i32 to index
      %parallel_loop3A_52 = arith.constant 16 : index
      %parallel_loop3A_53 = tpu.vector_load %arg8[%parallel_loop3A_51, %parallel_loop3A_52] {strides = array<i32>} : memref<272x272xf32, #tpu.memory_space<vmem>>, vector<16xf32>,
      tpu.vector_store %arg8[%parallel_loop3A_51, %parallel_loop3A_52], %broadcast_in_dim3A_1 {strides = array<i32>} : memref<272x272xf32, #tpu.memory_space<vmem>>, vector<16xf32>,
      %parallel_loop3A_54 = arith.index_cast %parallel_loop3A_47 : i32 to index
      %parallel_loop3A_55 = arith.constant 32 : index
      %parallel_loop3A_56 = tpu.vector_load %arg8[%parallel_loop3A_54, %parallel_loop3A_55] {strides = array<i32>} : memref<272x272xf32, #tpu.memory_space<vmem>>, vector<16xf32>,
      tpu.vector_store %arg8[%parallel_loop3A_54, %parallel_loop3A_55], %broadcast_in_dim3A_1 {strides = array<i32>} : memref<272x272xf32, #tpu.memory_space<vmem>>, vector<16xf32>,
      %parallel_loop3A_57 = arith.index_cast %parallel_loop3A_47 : i32 to index
      %parallel_loop3A_58 = arith.constant 48 : index
      %parallel_loop3A_59 = tpu.vector_load %arg8[%parallel_loop3A_57, %parallel_loop3A_58] {strides = array<i32>} : memref<272x272xf32, #tpu.memory_space<vmem>>, vector<16xf32>,
      tpu.vector_store %arg8[%parallel_loop3A_57, %parallel_loop3A_58], %broadcast_in_dim3A_1 {strides = array<i32>} : memref<272x272xf32, #tpu.memory_space<vmem>>, vector<16xf32>,
      %parallel_loop3A_60 = arith.index_cast %parallel_loop3A_47 : i32 to index
      %parallel_loop3A_61 = arith.constant 64 : index
      %parallel_loop3A_62 = tpu.vector_load %arg8[%parallel_loop3A_60, %parallel_loop3A_61] {strides = array<i32>} : memref<272x272xf32, #tpu.memory_space<vmem>>, vector<16xf32>,
      tpu.vector_store %arg8[%parallel_loop3A_60, %parallel_loop3A_61], %broadcast_in_dim3A_1 {strides = array<i32>} : memref<272x272xf32, #tpu.memory_space<vmem>>, vector<16xf32>,
      %parallel_loop3A_63 = arith.index_cast %parallel_loop3A_47 : i32 to index
      %parallel_loop3A_64 = arith.constant 80 : index
      %parallel_loop3A_65 = tpu.vector_load %arg8[%parallel_loop3A_63, %parallel_loop3A_64] {strides = array<i32>} : memref<272x272xf32, #tpu.memory_space<vmem>>, vector<16xf32>,
      tpu.vector_store %arg8[%parallel_loop3A_63, %parallel_loop3A_64], %broadcast_in_dim3A_1 {strides = array<i32>} : memref<272x272xf32, #tpu.memory_space<vmem>>, vector<16xf32>,
      %parallel_loop3A_66 = arith.index_cast %parallel_loop3A_47 : i32 to index
      %parallel_loop3A_67 = arith.constant 96 : index
      %parallel_loop3A_68 = tpu.vector_load %arg8[%parallel_loop3A_66, %parallel_loop3A_67] {strides = array<i32>} : memref<272x272xf32, #tpu.memory_space<vmem>>, vector<16xf32>,
      tpu.vector_store %arg8[%parallel_loop3A_66, %parallel_loop3A_67], %broadcast_in_dim3A_1 {strides = array<i32>} : memref<272x272xf32, #tpu.memory_space<vmem>>, vector<16xf32>,
      %parallel_loop3A_69 = arith.index_cast %parallel_loop3A_47 : i32 to index
      %parallel_loop3A_70 = arith.constant 112 : index
      %parallel_loop3A_71 = tpu.vector_load %arg8[%parallel_loop3A_69, %parallel_loop3A_70] {strides = array<i32>} : memref<272x272xf32, #tpu.memory_space<vmem>>, vector<16xf32>,
      tpu.vector_store %arg8[%parallel_loop3A_69, %parallel_loop3A_70], %broadcast_in_dim3A_1 {strides = array<i32>} : memref<272x272xf32, #tpu.memory_space<vmem>>, vector<16xf32>,
      %parallel_loop3A_72 = arith.index_cast %parallel_loop3A_47 : i32 to index
      %parallel_loop3A_73 = arith.constant 128 : index
      %parallel_loop3A_74 = tpu.vector_load %arg8[%parallel_loop3A_72, %parallel_loop3A_73] {strides = array<i32>} : memref<272x272xf32, #tpu.memory_space<vmem>>, vector<16xf32>,
      tpu.vector_store %arg8[%parallel_loop3A_72, %parallel_loop3A_73], %broadcast_in_dim3A_1 {strides = array<i32>} : memref<272x272xf32, #tpu.memory_space<vmem>>, vector<16xf32>,
      %parallel_loop3A_75 = arith.index_cast %parallel_loop3A_47 : i32 to index
      %parallel_loop3A_76 = arith.constant 144 : index
      %parallel_loop3A_77 = tpu.vector_load %arg8[%parallel_loop3A_75, %parallel_loop3A_76] {strides = array<i32>} : memref<272x272xf32, #tpu.memory_space<vmem>>, vector<16xf32>,
      tpu.vector_store %arg8[%parallel_loop3A_75, %parallel_loop3A_76], %broadcast_in_dim3A_1 {strides = array<i32>} : memref<272x272xf32, #tpu.memory_space<vmem>>, vector<16xf32>,
      %parallel_loop3A_78 = arith.index_cast %parallel_loop3A_47 : i32 to index
      %parallel_loop3A_79 = arith.constant 160 : index
      %parallel_loop3A_80 = tpu.vector_load %arg8[%parallel_loop3A_78, %parallel_loop3A_79] {strides = array<i32>} : memref<272x272xf32, #tpu.memory_space<vmem>>, vector<16xf32>,
      tpu.vector_store %arg8[%parallel_loop3A_78, %parallel_loop3A_79], %broadcast_in_dim3A_1 {strides = array<i32>} : memref<272x272xf32, #tpu.memory_space<vmem>>, vector<16xf32>,
      %parallel_loop3A_81 = arith.index_cast %parallel_loop3A_47 : i32 to index
      %parallel_loop3A_82 = arith.constant 176 : index
      %parallel_loop3A_83 = tpu.vector_load %arg8[%parallel_loop3A_81, %parallel_loop3A_82] {strides = array<i32>} : memref<272x272xf32, #tpu.memory_space<vmem>>, vector<16xf32>,
      tpu.vector_store %arg8[%parallel_loop3A_81, %parallel_loop3A_82], %broadcast_in_dim3A_1 {strides = array<i32>} : memref<272x272xf32, #tpu.memory_space<vmem>>, vector<16xf32>,
      %parallel_loop3A_84 = arith.index_cast %parallel_loop3A_47 : i32 to index
      %parallel_loop3A_85 = arith.constant 192 : index
      %parallel_loop3A_86 = tpu.vector_load %arg8[%parallel_loop3A_84, %parallel_loop3A_85] {strides = array<i32>} : memref<272x272xf32, #tpu.memory_space<vmem>>, vector<16xf32>,
      tpu.vector_store %arg8[%parallel_loop3A_84, %parallel_loop3A_85], %broadcast_in_dim3A_1 {strides = array<i32>} : memref<272x272xf32, #tpu.memory_space<vmem>>, vector<16xf32>,
      %parallel_loop3A_87 = arith.index_cast %parallel_loop3A_47 : i32 to index
      %parallel_loop3A_88 = arith.constant 208 : index
      %parallel_loop3A_89 = tpu.vector_load %arg8[%parallel_loop3A_87, %parallel_loop3A_88] {strides = array<i32>} : memref<272x272xf32, #tpu.memory_space<vmem>>, vector<16xf32>,
      tpu.vector_store %arg8[%parallel_loop3A_87, %parallel_loop3A_88], %broadcast_in_dim3A_1 {strides = array<i32>} : memref<272x272xf32, #tpu.memory_space<vmem>>, vector<16xf32>,
      %parallel_loop3A_90 = arith.index_cast %parallel_loop3A_47 : i32 to index
      %parallel_loop3A_91 = arith.constant 224 : index
      %parallel_loop3A_92 = tpu.vector_load %arg8[%parallel_loop3A_90, %parallel_loop3A_91] {strides = array<i32>} : memref<272x272xf32, #tpu.memory_space<vmem>>, vector<16xf32>,
      tpu.vector_store %arg8[%parallel_loop3A_90, %parallel_loop3A_91], %broadcast_in_dim3A_1 {strides = array<i32>} : memref<272x272xf32, #tpu.memory_space<vmem>>, vector<16xf32>,
      %parallel_loop3A_93 = arith.index_cast %parallel_loop3A_47 : i32 to index
      %parallel_loop3A_94 = arith.constant 240 : index
      %parallel_loop3A_95 = tpu.vector_load %arg8[%parallel_loop3A_93, %parallel_loop3A_94] {strides = array<i32>} : memref<272x272xf32, #tpu.memory_space<vmem>>, vector<16xf32>,
      tpu.vector_store %arg8[%parallel_loop3A_93, %parallel_loop3A_94], %broadcast_in_dim3A_1 {strides = array<i32>} : memref<272x272xf32, #tpu.memory_space<vmem>>, vector<16xf32>,
      %parallel_loop3A_96 = arith.index_cast %parallel_loop3A_47 : i32 to index
      %parallel_loop3A_97 = arith.constant 256 : index
      %parallel_loop3A_98 = tpu.vector_load %arg8[%parallel_loop3A_96, %parallel_loop3A_97] {strides = array<i32>} : memref<272x272xf32, #tpu.memory_space<vmem>>, vector<16xf32>,
      tpu.vector_store %arg8[%parallel_loop3A_96, %parallel_loop3A_97], %broadcast_in_dim3A_1 {strides = array<i32>} : memref<272x272xf32, #tpu.memory_space<vmem>>, vector<16xf32>,
    } {sc.loop_unroll_factor = 1 : i64, sc.parallel_access}
    %dma_wait3A = arith.constant 0 : i32
    %dma_wait3A_23 = arith.constant 0 : i32
    %dma_wait3A_24 = tpu.memref_slice %arg2[%add3A, %dma_wait3A, %dma_wait3A_23] : memref<32x2x8576xi32, #tpu.memory_space<hbm>> -> memref<1x1x8576xi32, #tpu.memory_space<hbm>>
    %dma_wait3A_25 = tpu.memref_squeeze %dma_wait3A_24 : memref<1x1x8576xi32, #tpu.memory_space<hbm>> -> memref<8576xi32, #tpu.memory_space<hbm>>
    %dma_wait3A_26 = arith.constant 0 : i32
    %dma_wait3A_27 = tpu.memref_slice %arg2[%add3A, %dma_wait3A, %dma_wait3A_26] : memref<32x2x8576xi32, #tpu.memory_space<hbm>> -> memref<1x1x8576xi32, #tpu.memory_space<hbm>>
    %dma_wait3A_28 = tpu.memref_squeeze %dma_wait3A_27 : memref<1x1x8576xi32, #tpu.memory_space<hbm>> -> memref<8576xi32, #tpu.memory_space<hbm>>
    tpu.wait_dma2 semaphore(%arg9 : memref<!tpu.dma_semaphore, #tpu.memory_space<semaphore_mem>>) src(%dma_wait3A_28 : memref<8576xi32, #tpu.memory_space<hbm>>) dst(%arg5 : memref<8576xi32, #tpu.memory_space<vmem>>)
    %dma_wait3A_29 = arith.constant 1 : i32
    %dma_wait3A_30 = arith.constant 0 : i32
    %dma_wait3A_31 = tpu.memref_slice %arg2[%add3A, %dma_wait3A_29, %dma_wait3A_30] : memref<32x2x8576xi32, #tpu.memory_space<hbm>> -> memref<1x1x8576xi32, #tpu.memory_space<hbm>>
    %dma_wait3A_32 = tpu.memref_squeeze %dma_wait3A_31 : memref<1x1x8576xi32, #tpu.memory_space<hbm>> -> memref<8576xi32, #tpu.memory_space<hbm>>
    %dma_wait3A_33 = arith.constant 0 : i32
    %dma_wait3A_34 = tpu.memref_slice %arg2[%add3A, %dma_wait3A_29, %dma_wait3A_33] : memref<32x2x8576xi32, #tpu.memory_space<hbm>> -> memref<1x1x8576xi32, #tpu.memory_space<hbm>>
    %dma_wait3A_35 = tpu.memref_squeeze %dma_wait3A_34 : memref<1x1x8576xi32, #tpu.memory_space<hbm>> -> memref<8576xi32, #tpu.memory_space<hbm>>
    tpu.wait_dma2 semaphore(%arg9 : memref<!tpu.dma_semaphore, #tpu.memory_space<semaphore_mem>>) src(%dma_wait3A_35 : memref<8576xi32, #tpu.memory_space<hbm>>) dst(%arg6 : memref<8576xi32, #tpu.memory_space<vmem>>)
    %dma_wait3A_36 = arith.constant 0 : i32
    %dma_wait3A_37 = tpu.memref_slice %arg3[%add3A, %dma_wait3A_36] : memref<32x8576xf32, #tpu.memory_space<hbm>> -> memref<1x8576xf32, #tpu.memory_space<hbm>>
    %dma_wait3A_38 = tpu.memref_squeeze %dma_wait3A_37 : memref<1x8576xf32, #tpu.memory_space<hbm>> -> memref<8576xf32, #tpu.memory_space<hbm>>
    %dma_wait3A_39 = arith.constant 0 : i32
    %dma_wait3A_40 = tpu.memref_slice %arg3[%add3A, %dma_wait3A_39] : memref<32x8576xf32, #tpu.memory_space<hbm>> -> memref<1x8576xf32, #tpu.memory_space<hbm>>
    %dma_wait3A_41 = tpu.memref_squeeze %dma_wait3A_40 : memref<1x8576xf32, #tpu.memory_space<hbm>> -> memref<8576xf32, #tpu.memory_space<hbm>>
    tpu.wait_dma2 semaphore(%arg9 : memref<!tpu.dma_semaphore, #tpu.memory_space<semaphore_mem>>) src(%dma_wait3A_41 : memref<8576xf32, #tpu.memory_space<hbm>>) dst(%arg7 : memref<8576xf32, #tpu.memory_space<vmem>>)
    %parallel_loop3A_42 = arith.constant 0 : i32
    %parallel_loop3A_43 = arith.constant 536 : i32
    %parallel_loop3A_44 = arith.constant 1 : i32
    scf.for %parallel_loop3A_47 = %parallel_loop3A_42 to %parallel_loop3A_43 step %parallel_loop3A_44  : i32 {
      %parallel_loop3A_48 = arith.constant 16 : i32
      %parallel_loop3A_49 = arith.muli %parallel_loop3A_47, %parallel_loop3A_48 : i32
      %parallel_loop3A_50 = arith.index_cast %parallel_loop3A_49 : i32 to index
      %parallel_loop3A_51 = tpu.vector_load %arg5[%parallel_loop3A_50] {strides = array<i32>} : memref<8576xi32, #tpu.memory_space<vmem>>, vector<16xi32>,
      %parallel_loop3A_52 = arith.constant 16 : i32
      %parallel_loop3A_53 = arith.muli %parallel_loop3A_47, %parallel_loop3A_52 : i32
      %parallel_loop3A_54 = arith.index_cast %parallel_loop3A_53 : i32 to index
      %parallel_loop3A_55 = tpu.vector_load %arg6[%parallel_loop3A_54] {strides = array<i32>} : memref<8576xi32, #tpu.memory_space<vmem>>, vector<16xi32>,
      %parallel_loop3A_56 = arith.constant 16 : i32
      %parallel_loop3A_57 = arith.muli %parallel_loop3A_47, %parallel_loop3A_56 : i32
      %parallel_loop3A_58 = arith.index_cast %parallel_loop3A_57 : i32 to index
      %parallel_loop3A_59 = tpu.vector_load %arg7[%parallel_loop3A_58] {strides = array<i32>} : memref<8576xf32, #tpu.memory_space<vmem>>, vector<16xf32>,
      tpu.vector_store_idx %arg8[%parallel_loop3A_55, %parallel_loop3A_51], %parallel_loop3A_59 {add = true} : memref<272x272xf32, #tpu.memory_space<vmem>>[vector<16xi32>, vector<16xi32>], vector<16xf32>,
    } {sc.loop_unroll_factor = 4 : i64, sc.parallel_access}
    %mul3A_45 = arith.constant 272 : i32
    %mul3A_46 = arith.muli %add3A, %mul3A_45 : i32
    "tpu.region"() ({
      %run_scoped3A = tpu.sem_alloc : memref<!tpu.dma_semaphore, #tpu.memory_space<semaphore_mem>>
      %dma_start3A_47 = arith.constant 0 : i32
      %dma_start3A_48 = tpu.memref_slice %arg4[%mul3A_46, %dma_start3A_47] : memref<8704x272xf32, #tpu.memory_space<hbm>> -> memref<272x272xf32, #tpu.memory_space<hbm>>
      %dma_start3A_49 = arith.constant 0 : i32
      %dma_start3A_50 = tpu.memref_slice %arg4[%mul3A_46, %dma_start3A_49] : memref<8704x272xf32, #tpu.memory_space<hbm>> -> memref<272x272xf32, #tpu.memory_space<hbm>>
      tpu.enqueue_dma source(%arg8 : memref<272x272xf32, #tpu.memory_space<vmem>>) target(%dma_start3A_50 : memref<272x272xf32, #tpu.memory_space<hbm>>) target_semaphore(%run_scoped3A : memref<!tpu.dma_semaphore, #tpu.memory_space<semaphore_mem>>)
      %dma_wait3A_51 = arith.constant 0 : i32
      %dma_wait3A_52 = tpu.memref_slice %arg4[%mul3A_46, %dma_wait3A_51] : memref<8704x272xf32, #tpu.memory_space<hbm>> -> memref<272x272xf32, #tpu.memory_space<hbm>>
      %dma_wait3A_53 = arith.constant 0 : i32
      %dma_wait3A_54 = tpu.memref_slice %arg4[%mul3A_46, %dma_wait3A_53] : memref<8704x272xf32, #tpu.memory_space<hbm>> -> memref<272x272xf32, #tpu.memory_space<hbm>>
      tpu.wait_dma2 semaphore(%run_scoped3A : memref<!tpu.dma_semaphore, #tpu.memory_space<semaphore_mem>>) src(%arg8 : memref<272x272xf32, #tpu.memory_space<vmem>>) dst(%dma_wait3A_54 : memref<272x272xf32, #tpu.memory_space<hbm>>)
      tpu.yield
    }) : () -> ()
    return
  }
}

module attributes {stable_mosaic.version = 14 : i64} {
  func.func @_tc_body(%arg0: i32, %arg1: memref<8x268x268xf32, #tpu.memory_space<vmem>>, %arg2: memref<2176x272xf32, #tpu.memory_space<vmem>>, %arg3: memref<268x96xf32, #tpu.memory_space<vmem>>, %arg4: memref<1x32xf32, #tpu.memory_space<vmem>>, %arg5: memref<32x96xf32, #tpu.memory_space<vmem>>, %arg6: memref<1x32xf32, #tpu.memory_space<vmem>>, %arg7: memref<268x100xf32, #tpu.memory_space<vmem>>, %arg8: memref<1x100xf32, #tpu.memory_space<vmem>>, %arg9: memref<100x60xf32, #tpu.memory_space<vmem>>, %arg10: memref<1x60xf32, #tpu.memory_space<vmem>>, %arg11: memref<8x32x60xf32, #tpu.memory_space<vmem>>) attributes {dimension_semantics = [#tpu.dimension_semantics<arbitrary>], iteration_bounds = array<i64: 4>, scalar_prefetch = 0 : i64, scratch_operands = 0 : i64, tpu.core_type = #tpu.core_type<tc>, window_params = [{transform_indices = @transform_0, window_bounds = array<i64: 8, 268, 268>}, {transform_indices = @transform_1, window_bounds = array<i64: 2176, 272>}, {pipeline_mode = #tpu.pipeline_mode<synchronous>, transform_indices = @transform_2, window_bounds = array<i64: 268, 96>}, {pipeline_mode = #tpu.pipeline_mode<synchronous>, transform_indices = @transform_3, window_bounds = array<i64: 1, 32>}, {pipeline_mode = #tpu.pipeline_mode<synchronous>, transform_indices = @transform_4, window_bounds = array<i64: 32, 96>}, {pipeline_mode = #tpu.pipeline_mode<synchronous>, transform_indices = @transform_5, window_bounds = array<i64: 1, 32>}, {pipeline_mode = #tpu.pipeline_mode<synchronous>, transform_indices = @transform_6, window_bounds = array<i64: 268, 100>}, {pipeline_mode = #tpu.pipeline_mode<synchronous>, transform_indices = @transform_7, window_bounds = array<i64: 1, 100>}, {pipeline_mode = #tpu.pipeline_mode<synchronous>, transform_indices = @transform_8, window_bounds = array<i64: 100, 60>}, {pipeline_mode = #tpu.pipeline_mode<synchronous>, transform_indices = @transform_9, window_bounds = array<i64: 1, 60>}, {transform_indices = @transform_10, window_bounds = array<i64: 8, 32, 60>}]} {
    %get3A = arith.constant 0 : index
    %get3A_0 = arith.constant 0 : index
    %get3A_1 = arith.constant 0 : index
    %get3A_2 = vector.load %arg1[%get3A, %get3A_0, %get3A_1] : memref<8x268x268xf32, #tpu.memory_space<vmem>>, vector<1x268x268xf32>
    %get3A_3 = vector.shape_cast %get3A_2 : vector<1x268x268xf32> to vector<268x268xf32>
    %get3A_4 = arith.constant 1 : index
    %get3A_5 = arith.constant 0 : index
    %get3A_6 = arith.constant 0 : index
    %get3A_7 = vector.load %arg1[%get3A_4, %get3A_5, %get3A_6] : memref<8x268x268xf32, #tpu.memory_space<vmem>>, vector<1x268x268xf32>
    %get3A_8 = vector.shape_cast %get3A_7 : vector<1x268x268xf32> to vector<268x268xf32>
    %get3A_9 = arith.constant 2 : index
    %get3A_10 = arith.constant 0 : index
    %get3A_11 = arith.constant 0 : index
    %get3A_12 = vector.load %arg1[%get3A_9, %get3A_10, %get3A_11] : memref<8x268x268xf32, #tpu.memory_space<vmem>>, vector<1x268x268xf32>
    %get3A_13 = vector.shape_cast %get3A_12 : vector<1x268x268xf32> to vector<268x268xf32>
    %get3A_14 = arith.constant 3 : index
    %get3A_15 = arith.constant 0 : index
    %get3A_16 = arith.constant 0 : index
    %get3A_17 = vector.load %arg1[%get3A_14, %get3A_15, %get3A_16] : memref<8x268x268xf32, #tpu.memory_space<vmem>>, vector<1x268x268xf32>
    %get3A_18 = vector.shape_cast %get3A_17 : vector<1x268x268xf32> to vector<268x268xf32>
    %get3A_19 = arith.constant 4 : index
    %get3A_20 = arith.constant 0 : index
    %get3A_21 = arith.constant 0 : index
    %get3A_22 = vector.load %arg1[%get3A_19, %get3A_20, %get3A_21] : memref<8x268x268xf32, #tpu.memory_space<vmem>>, vector<1x268x268xf32>
    %get3A_23 = vector.shape_cast %get3A_22 : vector<1x268x268xf32> to vector<268x268xf32>
    %get3A_24 = arith.constant 5 : index
    %get3A_25 = arith.constant 0 : index
    %get3A_26 = arith.constant 0 : index
    %get3A_27 = vector.load %arg1[%get3A_24, %get3A_25, %get3A_26] : memref<8x268x268xf32, #tpu.memory_space<vmem>>, vector<1x268x268xf32>
    %get3A_28 = vector.shape_cast %get3A_27 : vector<1x268x268xf32> to vector<268x268xf32>
    %get3A_29 = arith.constant 6 : index
    %get3A_30 = arith.constant 0 : index
    %get3A_31 = arith.constant 0 : index
    %get3A_32 = vector.load %arg1[%get3A_29, %get3A_30, %get3A_31] : memref<8x268x268xf32, #tpu.memory_space<vmem>>, vector<1x268x268xf32>
    %get3A_33 = vector.shape_cast %get3A_32 : vector<1x268x268xf32> to vector<268x268xf32>
    %get3A_34 = arith.constant 7 : index
    %get3A_35 = arith.constant 0 : index
    %get3A_36 = arith.constant 0 : index
    %get3A_37 = vector.load %arg1[%get3A_34, %get3A_35, %get3A_36] : memref<8x268x268xf32, #tpu.memory_space<vmem>>, vector<1x268x268xf32>
    %get3A_38 = vector.shape_cast %get3A_37 : vector<1x268x268xf32> to vector<268x268xf32>
    %get3A_39 = arith.constant 0 : index
    %get3A_40 = arith.constant 0 : index
    %get3A_41 = vector.load %arg2[%get3A_39, %get3A_40] : memref<2176x272xf32, #tpu.memory_space<vmem>>, vector<268x268xf32>
    %get3A_42 = arith.constant 272 : index
    %get3A_43 = arith.constant 0 : index
    %get3A_44 = vector.load %arg2[%get3A_42, %get3A_43] : memref<2176x272xf32, #tpu.memory_space<vmem>>, vector<268x268xf32>
    %get3A_45 = arith.constant 544 : index
    %get3A_46 = arith.constant 0 : index
    %get3A_47 = vector.load %arg2[%get3A_45, %get3A_46] : memref<2176x272xf32, #tpu.memory_space<vmem>>, vector<268x268xf32>
    %get3A_48 = arith.constant 816 : index
    %get3A_49 = arith.constant 0 : index
    %get3A_50 = vector.load %arg2[%get3A_48, %get3A_49] : memref<2176x272xf32, #tpu.memory_space<vmem>>, vector<268x268xf32>
    %get3A_51 = arith.constant 1088 : index
    %get3A_52 = arith.constant 0 : index
    %get3A_53 = vector.load %arg2[%get3A_51, %get3A_52] : memref<2176x272xf32, #tpu.memory_space<vmem>>, vector<268x268xf32>
    %get3A_54 = arith.constant 1360 : index
    %get3A_55 = arith.constant 0 : index
    %get3A_56 = vector.load %arg2[%get3A_54, %get3A_55] : memref<2176x272xf32, #tpu.memory_space<vmem>>, vector<268x268xf32>
    %get3A_57 = arith.constant 1632 : index
    %get3A_58 = arith.constant 0 : index
    %get3A_59 = vector.load %arg2[%get3A_57, %get3A_58] : memref<2176x272xf32, #tpu.memory_space<vmem>>, vector<268x268xf32>
    %get3A_60 = arith.constant 1904 : index
    %get3A_61 = arith.constant 0 : index
    %get3A_62 = vector.load %arg2[%get3A_60, %get3A_61] : memref<2176x272xf32, #tpu.memory_space<vmem>>, vector<268x268xf32>
    %reduce_sum3A = arith.constant dense<0.000000e+00> : vector<268xf32>
    %reduce_sum3A_63 = vector.multi_reduction <add>, %get3A_41, %reduce_sum3A [0] : vector<268x268xf32> to vector<268xf32>
    %broadcast_in_dim3A = vector.shape_cast %reduce_sum3A_63 : vector<268xf32> to vector<1x268xf32>
    %gt3A = arith.constant 0.000000e+00 : f32
    %gt3A_64 = vector.broadcast %gt3A : f32 to vector<1x268xf32>
    %gt3A_65 = arith.cmpf ogt, %broadcast_in_dim3A, %gt3A_64 : vector<1x268xf32>
    %gt3A_66 = arith.constant 0.000000e+00 : f32
    %gt3A_67 = vector.broadcast %gt3A_66 : f32 to vector<1x268xf32>
    %gt3A_68 = arith.cmpf ogt, %broadcast_in_dim3A, %gt3A_67 : vector<1x268xf32>
    %jit3A = arith.constant 1.000000e+00 : f32
    %broadcast_in_dim3A_69 = vector.broadcast %jit3A : f32 to vector<1x268xf32>
    %select_n3A = arith.select %gt3A_68, %broadcast_in_dim3A, %broadcast_in_dim3A_69 : vector<1x268xi1>, vector<1x268xf32>
    %rsqrt3A = math.rsqrt %select_n3A : vector<1x268xf32>
    %jit3A_70 = arith.constant 0.000000e+00 : f32
    %broadcast_in_dim3A_71 = vector.broadcast %jit3A_70 : f32 to vector<1x268xf32>
    %select_n3A_72 = arith.select %gt3A_65, %rsqrt3A, %broadcast_in_dim3A_71 : vector<1x268xi1>, vector<1x268xf32>
    %transpose3A = tpu.transpose %select_n3A_72, [1, 0] : vector<1x268xf32> -> vector<268x1xf32>
    %mul3A = vector.broadcast %transpose3A : vector<268x1xf32> to vector<268x268xf32>
    %mul3A_73 = arith.mulf %mul3A, %get3A_41 : vector<268x268xf32>
    %mul3A_74 = vector.broadcast %select_n3A_72 : vector<1x268xf32> to vector<268x268xf32>
    %mul3A_75 = arith.mulf %mul3A_73, %mul3A_74 : vector<268x268xf32>
    %reduce_sum3A_76 = arith.constant dense<0.000000e+00> : vector<268xf32>
    %reduce_sum3A_77 = vector.multi_reduction <add>, %get3A_44, %reduce_sum3A_76 [0] : vector<268x268xf32> to vector<268xf32>
    %broadcast_in_dim3A_78 = vector.shape_cast %reduce_sum3A_77 : vector<268xf32> to vector<1x268xf32>
    %gt3A_79 = arith.constant 0.000000e+00 : f32
    %gt3A_80 = vector.broadcast %gt3A_79 : f32 to vector<1x268xf32>
    %gt3A_81 = arith.cmpf ogt, %broadcast_in_dim3A_78, %gt3A_80 : vector<1x268xf32>
    %gt3A_82 = arith.constant 0.000000e+00 : f32
    %gt3A_83 = vector.broadcast %gt3A_82 : f32 to vector<1x268xf32>
    %gt3A_84 = arith.cmpf ogt, %broadcast_in_dim3A_78, %gt3A_83 : vector<1x268xf32>
    %jit3A_85 = arith.constant 1.000000e+00 : f32
    %broadcast_in_dim3A_86 = vector.broadcast %jit3A_85 : f32 to vector<1x268xf32>
    %select_n3A_87 = arith.select %gt3A_84, %broadcast_in_dim3A_78, %broadcast_in_dim3A_86 : vector<1x268xi1>, vector<1x268xf32>
    %rsqrt3A_88 = math.rsqrt %select_n3A_87 : vector<1x268xf32>
    %jit3A_89 = arith.constant 0.000000e+00 : f32
    %broadcast_in_dim3A_90 = vector.broadcast %jit3A_89 : f32 to vector<1x268xf32>
    %select_n3A_91 = arith.select %gt3A_81, %rsqrt3A_88, %broadcast_in_dim3A_90 : vector<1x268xi1>, vector<1x268xf32>
    %transpose3A_92 = tpu.transpose %select_n3A_91, [1, 0] : vector<1x268xf32> -> vector<268x1xf32>
    %mul3A_93 = vector.broadcast %transpose3A_92 : vector<268x1xf32> to vector<268x268xf32>
    %mul3A_94 = arith.mulf %mul3A_93, %get3A_44 : vector<268x268xf32>
    %mul3A_95 = vector.broadcast %select_n3A_91 : vector<1x268xf32> to vector<268x268xf32>
    %mul3A_96 = arith.mulf %mul3A_94, %mul3A_95 : vector<268x268xf32>
    %reduce_sum3A_97 = arith.constant dense<0.000000e+00> : vector<268xf32>
    %reduce_sum3A_98 = vector.multi_reduction <add>, %get3A_47, %reduce_sum3A_97 [0] : vector<268x268xf32> to vector<268xf32>
    %broadcast_in_dim3A_99 = vector.shape_cast %reduce_sum3A_98 : vector<268xf32> to vector<1x268xf32>
    %gt3A_100 = arith.constant 0.000000e+00 : f32
    %gt3A_101 = vector.broadcast %gt3A_100 : f32 to vector<1x268xf32>
    %gt3A_102 = arith.cmpf ogt, %broadcast_in_dim3A_99, %gt3A_101 : vector<1x268xf32>
    %gt3A_103 = arith.constant 0.000000e+00 : f32
    %gt3A_104 = vector.broadcast %gt3A_103 : f32 to vector<1x268xf32>
    %gt3A_105 = arith.cmpf ogt, %broadcast_in_dim3A_99, %gt3A_104 : vector<1x268xf32>
    %jit3A_106 = arith.constant 1.000000e+00 : f32
    %broadcast_in_dim3A_107 = vector.broadcast %jit3A_106 : f32 to vector<1x268xf32>
    %select_n3A_108 = arith.select %gt3A_105, %broadcast_in_dim3A_99, %broadcast_in_dim3A_107 : vector<1x268xi1>, vector<1x268xf32>
    %rsqrt3A_109 = math.rsqrt %select_n3A_108 : vector<1x268xf32>
    %jit3A_110 = arith.constant 0.000000e+00 : f32
    %broadcast_in_dim3A_111 = vector.broadcast %jit3A_110 : f32 to vector<1x268xf32>
    %select_n3A_112 = arith.select %gt3A_102, %rsqrt3A_109, %broadcast_in_dim3A_111 : vector<1x268xi1>, vector<1x268xf32>
    %transpose3A_113 = tpu.transpose %select_n3A_112, [1, 0] : vector<1x268xf32> -> vector<268x1xf32>
    %mul3A_114 = vector.broadcast %transpose3A_113 : vector<268x1xf32> to vector<268x268xf32>
    %mul3A_115 = arith.mulf %mul3A_114, %get3A_47 : vector<268x268xf32>
    %mul3A_116 = vector.broadcast %select_n3A_112 : vector<1x268xf32> to vector<268x268xf32>
    %mul3A_117 = arith.mulf %mul3A_115, %mul3A_116 : vector<268x268xf32>
    %reduce_sum3A_118 = arith.constant dense<0.000000e+00> : vector<268xf32>
    %reduce_sum3A_119 = vector.multi_reduction <add>, %get3A_50, %reduce_sum3A_118 [0] : vector<268x268xf32> to vector<268xf32>
    %broadcast_in_dim3A_120 = vector.shape_cast %reduce_sum3A_119 : vector<268xf32> to vector<1x268xf32>
    %gt3A_121 = arith.constant 0.000000e+00 : f32
    %gt3A_122 = vector.broadcast %gt3A_121 : f32 to vector<1x268xf32>
    %gt3A_123 = arith.cmpf ogt, %broadcast_in_dim3A_120, %gt3A_122 : vector<1x268xf32>
    %gt3A_124 = arith.constant 0.000000e+00 : f32
    %gt3A_125 = vector.broadcast %gt3A_124 : f32 to vector<1x268xf32>
    %gt3A_126 = arith.cmpf ogt, %broadcast_in_dim3A_120, %gt3A_125 : vector<1x268xf32>
    %jit3A_127 = arith.constant 1.000000e+00 : f32
    %broadcast_in_dim3A_128 = vector.broadcast %jit3A_127 : f32 to vector<1x268xf32>
    %select_n3A_129 = arith.select %gt3A_126, %broadcast_in_dim3A_120, %broadcast_in_dim3A_128 : vector<1x268xi1>, vector<1x268xf32>
    %rsqrt3A_130 = math.rsqrt %select_n3A_129 : vector<1x268xf32>
    %jit3A_131 = arith.constant 0.000000e+00 : f32
    %broadcast_in_dim3A_132 = vector.broadcast %jit3A_131 : f32 to vector<1x268xf32>
    %select_n3A_133 = arith.select %gt3A_123, %rsqrt3A_130, %broadcast_in_dim3A_132 : vector<1x268xi1>, vector<1x268xf32>
    %transpose3A_134 = tpu.transpose %select_n3A_133, [1, 0] : vector<1x268xf32> -> vector<268x1xf32>
    %mul3A_135 = vector.broadcast %transpose3A_134 : vector<268x1xf32> to vector<268x268xf32>
    %mul3A_136 = arith.mulf %mul3A_135, %get3A_50 : vector<268x268xf32>
    %mul3A_137 = vector.broadcast %select_n3A_133 : vector<1x268xf32> to vector<268x268xf32>
    %mul3A_138 = arith.mulf %mul3A_136, %mul3A_137 : vector<268x268xf32>
    %reduce_sum3A_139 = arith.constant dense<0.000000e+00> : vector<268xf32>
    %reduce_sum3A_140 = vector.multi_reduction <add>, %get3A_53, %reduce_sum3A_139 [0] : vector<268x268xf32> to vector<268xf32>
    %broadcast_in_dim3A_141 = vector.shape_cast %reduce_sum3A_140 : vector<268xf32> to vector<1x268xf32>
    %gt3A_142 = arith.constant 0.000000e+00 : f32
    %gt3A_143 = vector.broadcast %gt3A_142 : f32 to vector<1x268xf32>
    %gt3A_144 = arith.cmpf ogt, %broadcast_in_dim3A_141, %gt3A_143 : vector<1x268xf32>
    %gt3A_145 = arith.constant 0.000000e+00 : f32
    %gt3A_146 = vector.broadcast %gt3A_145 : f32 to vector<1x268xf32>
    %gt3A_147 = arith.cmpf ogt, %broadcast_in_dim3A_141, %gt3A_146 : vector<1x268xf32>
    %jit3A_148 = arith.constant 1.000000e+00 : f32
    %broadcast_in_dim3A_149 = vector.broadcast %jit3A_148 : f32 to vector<1x268xf32>
    %select_n3A_150 = arith.select %gt3A_147, %broadcast_in_dim3A_141, %broadcast_in_dim3A_149 : vector<1x268xi1>, vector<1x268xf32>
    %rsqrt3A_151 = math.rsqrt %select_n3A_150 : vector<1x268xf32>
    %jit3A_152 = arith.constant 0.000000e+00 : f32
    %broadcast_in_dim3A_153 = vector.broadcast %jit3A_152 : f32 to vector<1x268xf32>
    %select_n3A_154 = arith.select %gt3A_144, %rsqrt3A_151, %broadcast_in_dim3A_153 : vector<1x268xi1>, vector<1x268xf32>
    %transpose3A_155 = tpu.transpose %select_n3A_154, [1, 0] : vector<1x268xf32> -> vector<268x1xf32>
    %mul3A_156 = vector.broadcast %transpose3A_155 : vector<268x1xf32> to vector<268x268xf32>
    %mul3A_157 = arith.mulf %mul3A_156, %get3A_53 : vector<268x268xf32>
    %mul3A_158 = vector.broadcast %select_n3A_154 : vector<1x268xf32> to vector<268x268xf32>
    %mul3A_159 = arith.mulf %mul3A_157, %mul3A_158 : vector<268x268xf32>
    %reduce_sum3A_160 = arith.constant dense<0.000000e+00> : vector<268xf32>
    %reduce_sum3A_161 = vector.multi_reduction <add>, %get3A_56, %reduce_sum3A_160 [0] : vector<268x268xf32> to vector<268xf32>
    %broadcast_in_dim3A_162 = vector.shape_cast %reduce_sum3A_161 : vector<268xf32> to vector<1x268xf32>
    %gt3A_163 = arith.constant 0.000000e+00 : f32
    %gt3A_164 = vector.broadcast %gt3A_163 : f32 to vector<1x268xf32>
    %gt3A_165 = arith.cmpf ogt, %broadcast_in_dim3A_162, %gt3A_164 : vector<1x268xf32>
    %gt3A_166 = arith.constant 0.000000e+00 : f32
    %gt3A_167 = vector.broadcast %gt3A_166 : f32 to vector<1x268xf32>
    %gt3A_168 = arith.cmpf ogt, %broadcast_in_dim3A_162, %gt3A_167 : vector<1x268xf32>
    %jit3A_169 = arith.constant 1.000000e+00 : f32
    %broadcast_in_dim3A_170 = vector.broadcast %jit3A_169 : f32 to vector<1x268xf32>
    %select_n3A_171 = arith.select %gt3A_168, %broadcast_in_dim3A_162, %broadcast_in_dim3A_170 : vector<1x268xi1>, vector<1x268xf32>
    %rsqrt3A_172 = math.rsqrt %select_n3A_171 : vector<1x268xf32>
    %jit3A_173 = arith.constant 0.000000e+00 : f32
    %broadcast_in_dim3A_174 = vector.broadcast %jit3A_173 : f32 to vector<1x268xf32>
    %select_n3A_175 = arith.select %gt3A_165, %rsqrt3A_172, %broadcast_in_dim3A_174 : vector<1x268xi1>, vector<1x268xf32>
    %transpose3A_176 = tpu.transpose %select_n3A_175, [1, 0] : vector<1x268xf32> -> vector<268x1xf32>
    %mul3A_177 = vector.broadcast %transpose3A_176 : vector<268x1xf32> to vector<268x268xf32>
    %mul3A_178 = arith.mulf %mul3A_177, %get3A_56 : vector<268x268xf32>
    %mul3A_179 = vector.broadcast %select_n3A_175 : vector<1x268xf32> to vector<268x268xf32>
    %mul3A_180 = arith.mulf %mul3A_178, %mul3A_179 : vector<268x268xf32>
    %reduce_sum3A_181 = arith.constant dense<0.000000e+00> : vector<268xf32>
    %reduce_sum3A_182 = vector.multi_reduction <add>, %get3A_59, %reduce_sum3A_181 [0] : vector<268x268xf32> to vector<268xf32>
    %broadcast_in_dim3A_183 = vector.shape_cast %reduce_sum3A_182 : vector<268xf32> to vector<1x268xf32>
    %gt3A_184 = arith.constant 0.000000e+00 : f32
    %gt3A_185 = vector.broadcast %gt3A_184 : f32 to vector<1x268xf32>
    %gt3A_186 = arith.cmpf ogt, %broadcast_in_dim3A_183, %gt3A_185 : vector<1x268xf32>
    %gt3A_187 = arith.constant 0.000000e+00 : f32
    %gt3A_188 = vector.broadcast %gt3A_187 : f32 to vector<1x268xf32>
    %gt3A_189 = arith.cmpf ogt, %broadcast_in_dim3A_183, %gt3A_188 : vector<1x268xf32>
    %jit3A_190 = arith.constant 1.000000e+00 : f32
    %broadcast_in_dim3A_191 = vector.broadcast %jit3A_190 : f32 to vector<1x268xf32>
    %select_n3A_192 = arith.select %gt3A_189, %broadcast_in_dim3A_183, %broadcast_in_dim3A_191 : vector<1x268xi1>, vector<1x268xf32>
    %rsqrt3A_193 = math.rsqrt %select_n3A_192 : vector<1x268xf32>
    %jit3A_194 = arith.constant 0.000000e+00 : f32
    %broadcast_in_dim3A_195 = vector.broadcast %jit3A_194 : f32 to vector<1x268xf32>
    %select_n3A_196 = arith.select %gt3A_186, %rsqrt3A_193, %broadcast_in_dim3A_195 : vector<1x268xi1>, vector<1x268xf32>
    %transpose3A_197 = tpu.transpose %select_n3A_196, [1, 0] : vector<1x268xf32> -> vector<268x1xf32>
    %mul3A_198 = vector.broadcast %transpose3A_197 : vector<268x1xf32> to vector<268x268xf32>
    %mul3A_199 = arith.mulf %mul3A_198, %get3A_59 : vector<268x268xf32>
    %mul3A_200 = vector.broadcast %select_n3A_196 : vector<1x268xf32> to vector<268x268xf32>
    %mul3A_201 = arith.mulf %mul3A_199, %mul3A_200 : vector<268x268xf32>
    %reduce_sum3A_202 = arith.constant dense<0.000000e+00> : vector<268xf32>
    %reduce_sum3A_203 = vector.multi_reduction <add>, %get3A_62, %reduce_sum3A_202 [0] : vector<268x268xf32> to vector<268xf32>
    %broadcast_in_dim3A_204 = vector.shape_cast %reduce_sum3A_203 : vector<268xf32> to vector<1x268xf32>
    %gt3A_205 = arith.constant 0.000000e+00 : f32
    %gt3A_206 = vector.broadcast %gt3A_205 : f32 to vector<1x268xf32>
    %gt3A_207 = arith.cmpf ogt, %broadcast_in_dim3A_204, %gt3A_206 : vector<1x268xf32>
    %gt3A_208 = arith.constant 0.000000e+00 : f32
    %gt3A_209 = vector.broadcast %gt3A_208 : f32 to vector<1x268xf32>
    %gt3A_210 = arith.cmpf ogt, %broadcast_in_dim3A_204, %gt3A_209 : vector<1x268xf32>
    %jit3A_211 = arith.constant 1.000000e+00 : f32
    %broadcast_in_dim3A_212 = vector.broadcast %jit3A_211 : f32 to vector<1x268xf32>
    %select_n3A_213 = arith.select %gt3A_210, %broadcast_in_dim3A_204, %broadcast_in_dim3A_212 : vector<1x268xi1>, vector<1x268xf32>
    %rsqrt3A_214 = math.rsqrt %select_n3A_213 : vector<1x268xf32>
    %jit3A_215 = arith.constant 0.000000e+00 : f32
    %broadcast_in_dim3A_216 = vector.broadcast %jit3A_215 : f32 to vector<1x268xf32>
    %select_n3A_217 = arith.select %gt3A_207, %rsqrt3A_214, %broadcast_in_dim3A_216 : vector<1x268xi1>, vector<1x268xf32>
    %transpose3A_218 = tpu.transpose %select_n3A_217, [1, 0] : vector<1x268xf32> -> vector<268x1xf32>
    %mul3A_219 = vector.broadcast %transpose3A_218 : vector<268x1xf32> to vector<268x268xf32>
    %mul3A_220 = arith.mulf %mul3A_219, %get3A_62 : vector<268x268xf32>
    %mul3A_221 = vector.broadcast %select_n3A_217 : vector<1x268xf32> to vector<268x268xf32>
    %mul3A_222 = arith.mulf %mul3A_220, %mul3A_221 : vector<268x268xf32>
    %get3A_223 = arith.constant 0 : index
    %get3A_224 = arith.constant 0 : index
    %get3A_225 = vector.load %arg3[%get3A_223, %get3A_224] : memref<268x96xf32, #tpu.memory_space<vmem>>, vector<268x96xf32>
    %dot_general3A = arith.constant dense<0.000000e+00> : vector<268x96xf32>
    %dot_general3A_226 = tpu.matmul %get3A_3, %get3A_225, %dot_general3A {dimension_numbers = #tpu.dot_dimension_numbers<[1], [0], [0], [1], [0, 0, 1, 1], [], []>, transpose_lhs_hint = false} : vector<268x268xf32>, vector<268x96xf32>, vector<268x96xf32> -> vector<268x96xf32>
    %get3A_227 = arith.constant 0 : index
    %get3A_228 = arith.constant 0 : index
    %get3A_229 = vector.load %arg3[%get3A_227, %get3A_228] : memref<268x96xf32, #tpu.memory_space<vmem>>, vector<268x96xf32>
    %dot_general3A_230 = arith.constant dense<0.000000e+00> : vector<268x96xf32>
    %dot_general3A_231 = tpu.matmul %get3A_8, %get3A_229, %dot_general3A_230 {dimension_numbers = #tpu.dot_dimension_numbers<[1], [0], [0], [1], [0, 0, 1, 1], [], []>, transpose_lhs_hint = false} : vector<268x268xf32>, vector<268x96xf32>, vector<268x96xf32> -> vector<268x96xf32>
    %get3A_232 = arith.constant 0 : index
    %get3A_233 = arith.constant 0 : index
    %get3A_234 = vector.load %arg3[%get3A_232, %get3A_233] : memref<268x96xf32, #tpu.memory_space<vmem>>, vector<268x96xf32>
    %dot_general3A_235 = arith.constant dense<0.000000e+00> : vector<268x96xf32>
    %dot_general3A_236 = tpu.matmul %get3A_13, %get3A_234, %dot_general3A_235 {dimension_numbers = #tpu.dot_dimension_numbers<[1], [0], [0], [1], [0, 0, 1, 1], [], []>, transpose_lhs_hint = false} : vector<268x268xf32>, vector<268x96xf32>, vector<268x96xf32> -> vector<268x96xf32>
    %get3A_237 = arith.constant 0 : index
    %get3A_238 = arith.constant 0 : index
    %get3A_239 = vector.load %arg3[%get3A_237, %get3A_238] : memref<268x96xf32, #tpu.memory_space<vmem>>, vector<268x96xf32>
    %dot_general3A_240 = arith.constant dense<0.000000e+00> : vector<268x96xf32>
    %dot_general3A_241 = tpu.matmul %get3A_18, %get3A_239, %dot_general3A_240 {dimension_numbers = #tpu.dot_dimension_numbers<[1], [0], [0], [1], [0, 0, 1, 1], [], []>, transpose_lhs_hint = false} : vector<268x268xf32>, vector<268x96xf32>, vector<268x96xf32> -> vector<268x96xf32>
    %get3A_242 = arith.constant 0 : index
    %get3A_243 = arith.constant 0 : index
    %get3A_244 = vector.load %arg3[%get3A_242, %get3A_243] : memref<268x96xf32, #tpu.memory_space<vmem>>, vector<268x96xf32>
    %dot_general3A_245 = arith.constant dense<0.000000e+00> : vector<268x96xf32>
    %dot_general3A_246 = tpu.matmul %get3A_23, %get3A_244, %dot_general3A_245 {dimension_numbers = #tpu.dot_dimension_numbers<[1], [0], [0], [1], [0, 0, 1, 1], [], []>, transpose_lhs_hint = false} : vector<268x268xf32>, vector<268x96xf32>, vector<268x96xf32> -> vector<268x96xf32>
    %get3A_247 = arith.constant 0 : index
    %get3A_248 = arith.constant 0 : index
    %get3A_249 = vector.load %arg3[%get3A_247, %get3A_248] : memref<268x96xf32, #tpu.memory_space<vmem>>, vector<268x96xf32>
    %dot_general3A_250 = arith.constant dense<0.000000e+00> : vector<268x96xf32>
    %dot_general3A_251 = tpu.matmul %get3A_28, %get3A_249, %dot_general3A_250 {dimension_numbers = #tpu.dot_dimension_numbers<[1], [0], [0], [1], [0, 0, 1, 1], [], []>, transpose_lhs_hint = false} : vector<268x268xf32>, vector<268x96xf32>, vector<268x96xf32> -> vector<268x96xf32>
    %get3A_252 = arith.constant 0 : index
    %get3A_253 = arith.constant 0 : index
    %get3A_254 = vector.load %arg3[%get3A_252, %get3A_253] : memref<268x96xf32, #tpu.memory_space<vmem>>, vector<268x96xf32>
    %dot_general3A_255 = arith.constant dense<0.000000e+00> : vector<268x96xf32>
    %dot_general3A_256 = tpu.matmul %get3A_33, %get3A_254, %dot_general3A_255 {dimension_numbers = #tpu.dot_dimension_numbers<[1], [0], [0], [1], [0, 0, 1, 1], [], []>, transpose_lhs_hint = false} : vector<268x268xf32>, vector<268x96xf32>, vector<268x96xf32> -> vector<268x96xf32>
    %get3A_257 = arith.constant 0 : index
    %get3A_258 = arith.constant 0 : index
    %get3A_259 = vector.load %arg3[%get3A_257, %get3A_258] : memref<268x96xf32, #tpu.memory_space<vmem>>, vector<268x96xf32>
    %dot_general3A_260 = arith.constant dense<0.000000e+00> : vector<268x96xf32>
    %dot_general3A_261 = tpu.matmul %get3A_38, %get3A_259, %dot_general3A_260 {dimension_numbers = #tpu.dot_dimension_numbers<[1], [0], [0], [1], [0, 0, 1, 1], [], []>, transpose_lhs_hint = false} : vector<268x268xf32>, vector<268x96xf32>, vector<268x96xf32> -> vector<268x96xf32>
    %slice3A = vector.extract_strided_slice %dot_general3A_226 {offsets = [0, 64], sizes = [268, 32], strides = [1, 1]} : vector<268x96xf32> to vector<268x32xf32>
    %dot_general3A_262 = arith.constant dense<0.000000e+00> : vector<268x32xf32>
    %dot_general3A_263 = tpu.matmul %mul3A_75, %slice3A, %dot_general3A_262 {dimension_numbers = #tpu.dot_dimension_numbers<[1], [0], [0], [1], [0, 0, 1, 1], [], []>, transpose_lhs_hint = false} : vector<268x268xf32>, vector<268x32xf32>, vector<268x32xf32> -> vector<268x32xf32>
    %slice3A_264 = vector.extract_strided_slice %dot_general3A_231 {offsets = [0, 64], sizes = [268, 32], strides = [1, 1]} : vector<268x96xf32> to vector<268x32xf32>
    %dot_general3A_265 = arith.constant dense<0.000000e+00> : vector<268x32xf32>
    %dot_general3A_266 = tpu.matmul %mul3A_96, %slice3A_264, %dot_general3A_265 {dimension_numbers = #tpu.dot_dimension_numbers<[1], [0], [0], [1], [0, 0, 1, 1], [], []>, transpose_lhs_hint = false} : vector<268x268xf32>, vector<268x32xf32>, vector<268x32xf32> -> vector<268x32xf32>
    %slice3A_267 = vector.extract_strided_slice %dot_general3A_236 {offsets = [0, 64], sizes = [268, 32], strides = [1, 1]} : vector<268x96xf32> to vector<268x32xf32>
    %dot_general3A_268 = arith.constant dense<0.000000e+00> : vector<268x32xf32>
    %dot_general3A_269 = tpu.matmul %mul3A_117, %slice3A_267, %dot_general3A_268 {dimension_numbers = #tpu.dot_dimension_numbers<[1], [0], [0], [1], [0, 0, 1, 1], [], []>, transpose_lhs_hint = false} : vector<268x268xf32>, vector<268x32xf32>, vector<268x32xf32> -> vector<268x32xf32>
    %slice3A_270 = vector.extract_strided_slice %dot_general3A_241 {offsets = [0, 64], sizes = [268, 32], strides = [1, 1]} : vector<268x96xf32> to vector<268x32xf32>
    %dot_general3A_271 = arith.constant dense<0.000000e+00> : vector<268x32xf32>
    %dot_general3A_272 = tpu.matmul %mul3A_138, %slice3A_270, %dot_general3A_271 {dimension_numbers = #tpu.dot_dimension_numbers<[1], [0], [0], [1], [0, 0, 1, 1], [], []>, transpose_lhs_hint = false} : vector<268x268xf32>, vector<268x32xf32>, vector<268x32xf32> -> vector<268x32xf32>
    %slice3A_273 = vector.extract_strided_slice %dot_general3A_246 {offsets = [0, 64], sizes = [268, 32], strides = [1, 1]} : vector<268x96xf32> to vector<268x32xf32>
    %dot_general3A_274 = arith.constant dense<0.000000e+00> : vector<268x32xf32>
    %dot_general3A_275 = tpu.matmul %mul3A_159, %slice3A_273, %dot_general3A_274 {dimension_numbers = #tpu.dot_dimension_numbers<[1], [0], [0], [1], [0, 0, 1, 1], [], []>, transpose_lhs_hint = false} : vector<268x268xf32>, vector<268x32xf32>, vector<268x32xf32> -> vector<268x32xf32>
    %slice3A_276 = vector.extract_strided_slice %dot_general3A_251 {offsets = [0, 64], sizes = [268, 32], strides = [1, 1]} : vector<268x96xf32> to vector<268x32xf32>
    %dot_general3A_277 = arith.constant dense<0.000000e+00> : vector<268x32xf32>
    %dot_general3A_278 = tpu.matmul %mul3A_180, %slice3A_276, %dot_general3A_277 {dimension_numbers = #tpu.dot_dimension_numbers<[1], [0], [0], [1], [0, 0, 1, 1], [], []>, transpose_lhs_hint = false} : vector<268x268xf32>, vector<268x32xf32>, vector<268x32xf32> -> vector<268x32xf32>
    %slice3A_279 = vector.extract_strided_slice %dot_general3A_256 {offsets = [0, 64], sizes = [268, 32], strides = [1, 1]} : vector<268x96xf32> to vector<268x32xf32>
    %dot_general3A_280 = arith.constant dense<0.000000e+00> : vector<268x32xf32>
    %dot_general3A_281 = tpu.matmul %mul3A_201, %slice3A_279, %dot_general3A_280 {dimension_numbers = #tpu.dot_dimension_numbers<[1], [0], [0], [1], [0, 0, 1, 1], [], []>, transpose_lhs_hint = false} : vector<268x268xf32>, vector<268x32xf32>, vector<268x32xf32> -> vector<268x32xf32>
    %slice3A_282 = vector.extract_strided_slice %dot_general3A_261 {offsets = [0, 64], sizes = [268, 32], strides = [1, 1]} : vector<268x96xf32> to vector<268x32xf32>
    %dot_general3A_283 = arith.constant dense<0.000000e+00> : vector<268x32xf32>
    %dot_general3A_284 = tpu.matmul %mul3A_222, %slice3A_282, %dot_general3A_283 {dimension_numbers = #tpu.dot_dimension_numbers<[1], [0], [0], [1], [0, 0, 1, 1], [], []>, transpose_lhs_hint = false} : vector<268x268xf32>, vector<268x32xf32>, vector<268x32xf32> -> vector<268x32xf32>
    %slice3A_285 = vector.extract_strided_slice %dot_general3A_226 {offsets = [0, 32], sizes = [268, 32], strides = [1, 1]} : vector<268x96xf32> to vector<268x32xf32>
    %mul3A_286 = arith.constant 2.000000e+00 : f32
    %mul3A_287 = vector.broadcast %mul3A_286 : f32 to vector<268x32xf32>
    %mul3A_288 = arith.mulf %mul3A_287, %dot_general3A_263 : vector<268x32xf32>
    %sub3A = arith.subf %slice3A_285, %mul3A_288 : vector<268x32xf32>
    %dot_general3A_289 = arith.constant dense<0.000000e+00> : vector<268x32xf32>
    %dot_general3A_290 = tpu.matmul %mul3A_75, %sub3A, %dot_general3A_289 {dimension_numbers = #tpu.dot_dimension_numbers<[1], [0], [0], [1], [0, 0, 1, 1], [], []>, transpose_lhs_hint = false} : vector<268x268xf32>, vector<268x32xf32>, vector<268x32xf32> -> vector<268x32xf32>
    %slice3A_291 = vector.extract_strided_slice %dot_general3A_231 {offsets = [0, 32], sizes = [268, 32], strides = [1, 1]} : vector<268x96xf32> to vector<268x32xf32>
    %mul3A_292 = arith.constant 2.000000e+00 : f32
    %mul3A_293 = vector.broadcast %mul3A_292 : f32 to vector<268x32xf32>
    %mul3A_294 = arith.mulf %mul3A_293, %dot_general3A_266 : vector<268x32xf32>
    %sub3A_295 = arith.subf %slice3A_291, %mul3A_294 : vector<268x32xf32>
    %dot_general3A_296 = arith.constant dense<0.000000e+00> : vector<268x32xf32>
    %dot_general3A_297 = tpu.matmul %mul3A_96, %sub3A_295, %dot_general3A_296 {dimension_numbers = #tpu.dot_dimension_numbers<[1], [0], [0], [1], [0, 0, 1, 1], [], []>, transpose_lhs_hint = false} : vector<268x268xf32>, vector<268x32xf32>, vector<268x32xf32> -> vector<268x32xf32>
    %slice3A_298 = vector.extract_strided_slice %dot_general3A_236 {offsets = [0, 32], sizes = [268, 32], strides = [1, 1]} : vector<268x96xf32> to vector<268x32xf32>
    %mul3A_299 = arith.constant 2.000000e+00 : f32
    %mul3A_300 = vector.broadcast %mul3A_299 : f32 to vector<268x32xf32>
    %mul3A_301 = arith.mulf %mul3A_300, %dot_general3A_269 : vector<268x32xf32>
    %sub3A_302 = arith.subf %slice3A_298, %mul3A_301 : vector<268x32xf32>
    %dot_general3A_303 = arith.constant dense<0.000000e+00> : vector<268x32xf32>
    %dot_general3A_304 = tpu.matmul %mul3A_117, %sub3A_302, %dot_general3A_303 {dimension_numbers = #tpu.dot_dimension_numbers<[1], [0], [0], [1], [0, 0, 1, 1], [], []>, transpose_lhs_hint = false} : vector<268x268xf32>, vector<268x32xf32>, vector<268x32xf32> -> vector<268x32xf32>
    %slice3A_305 = vector.extract_strided_slice %dot_general3A_241 {offsets = [0, 32], sizes = [268, 32], strides = [1, 1]} : vector<268x96xf32> to vector<268x32xf32>
    %mul3A_306 = arith.constant 2.000000e+00 : f32
    %mul3A_307 = vector.broadcast %mul3A_306 : f32 to vector<268x32xf32>
    %mul3A_308 = arith.mulf %mul3A_307, %dot_general3A_272 : vector<268x32xf32>
    %sub3A_309 = arith.subf %slice3A_305, %mul3A_308 : vector<268x32xf32>
    %dot_general3A_310 = arith.constant dense<0.000000e+00> : vector<268x32xf32>
    %dot_general3A_311 = tpu.matmul %mul3A_138, %sub3A_309, %dot_general3A_310 {dimension_numbers = #tpu.dot_dimension_numbers<[1], [0], [0], [1], [0, 0, 1, 1], [], []>, transpose_lhs_hint = false} : vector<268x268xf32>, vector<268x32xf32>, vector<268x32xf32> -> vector<268x32xf32>
    %slice3A_312 = vector.extract_strided_slice %dot_general3A_246 {offsets = [0, 32], sizes = [268, 32], strides = [1, 1]} : vector<268x96xf32> to vector<268x32xf32>
    %mul3A_313 = arith.constant 2.000000e+00 : f32
    %mul3A_314 = vector.broadcast %mul3A_313 : f32 to vector<268x32xf32>
    %mul3A_315 = arith.mulf %mul3A_314, %dot_general3A_275 : vector<268x32xf32>
    %sub3A_316 = arith.subf %slice3A_312, %mul3A_315 : vector<268x32xf32>
    %dot_general3A_317 = arith.constant dense<0.000000e+00> : vector<268x32xf32>
    %dot_general3A_318 = tpu.matmul %mul3A_159, %sub3A_316, %dot_general3A_317 {dimension_numbers = #tpu.dot_dimension_numbers<[1], [0], [0], [1], [0, 0, 1, 1], [], []>, transpose_lhs_hint = false} : vector<268x268xf32>, vector<268x32xf32>, vector<268x32xf32> -> vector<268x32xf32>
    %slice3A_319 = vector.extract_strided_slice %dot_general3A_251 {offsets = [0, 32], sizes = [268, 32], strides = [1, 1]} : vector<268x96xf32> to vector<268x32xf32>
    %mul3A_320 = arith.constant 2.000000e+00 : f32
    %mul3A_321 = vector.broadcast %mul3A_320 : f32 to vector<268x32xf32>
    %mul3A_322 = arith.mulf %mul3A_321, %dot_general3A_278 : vector<268x32xf32>
    %sub3A_323 = arith.subf %slice3A_319, %mul3A_322 : vector<268x32xf32>
    %dot_general3A_324 = arith.constant dense<0.000000e+00> : vector<268x32xf32>
    %dot_general3A_325 = tpu.matmul %mul3A_180, %sub3A_323, %dot_general3A_324 {dimension_numbers = #tpu.dot_dimension_numbers<[1], [0], [0], [1], [0, 0, 1, 1], [], []>, transpose_lhs_hint = false} : vector<268x268xf32>, vector<268x32xf32>, vector<268x32xf32> -> vector<268x32xf32>
    %slice3A_326 = vector.extract_strided_slice %dot_general3A_256 {offsets = [0, 32], sizes = [268, 32], strides = [1, 1]} : vector<268x96xf32> to vector<268x32xf32>
    %mul3A_327 = arith.constant 2.000000e+00 : f32
    %mul3A_328 = vector.broadcast %mul3A_327 : f32 to vector<268x32xf32>
    %mul3A_329 = arith.mulf %mul3A_328, %dot_general3A_281 : vector<268x32xf32>
    %sub3A_330 = arith.subf %slice3A_326, %mul3A_329 : vector<268x32xf32>
    %dot_general3A_331 = arith.constant dense<0.000000e+00> : vector<268x32xf32>
    %dot_general3A_332 = tpu.matmul %mul3A_201, %sub3A_330, %dot_general3A_331 {dimension_numbers = #tpu.dot_dimension_numbers<[1], [0], [0], [1], [0, 0, 1, 1], [], []>, transpose_lhs_hint = false} : vector<268x268xf32>, vector<268x32xf32>, vector<268x32xf32> -> vector<268x32xf32>
    %slice3A_333 = vector.extract_strided_slice %dot_general3A_261 {offsets = [0, 32], sizes = [268, 32], strides = [1, 1]} : vector<268x96xf32> to vector<268x32xf32>
    %mul3A_334 = arith.constant 2.000000e+00 : f32
    %mul3A_335 = vector.broadcast %mul3A_334 : f32 to vector<268x32xf32>
    %mul3A_336 = arith.mulf %mul3A_335, %dot_general3A_284 : vector<268x32xf32>
    %sub3A_337 = arith.subf %slice3A_333, %mul3A_336 : vector<268x32xf32>
    %dot_general3A_338 = arith.constant dense<0.000000e+00> : vector<268x32xf32>
    %dot_general3A_339 = tpu.matmul %mul3A_222, %sub3A_337, %dot_general3A_338 {dimension_numbers = #tpu.dot_dimension_numbers<[1], [0], [0], [1], [0, 0, 1, 1], [], []>, transpose_lhs_hint = false} : vector<268x268xf32>, vector<268x32xf32>, vector<268x32xf32> -> vector<268x32xf32>
    %slice3A_340 = vector.extract_strided_slice %dot_general3A_226 {offsets = [0, 0], sizes = [268, 32], strides = [1, 1]} : vector<268x96xf32> to vector<268x32xf32>
    %sub3A_341 = arith.subf %slice3A_340, %dot_general3A_290 : vector<268x32xf32>
    %get3A_342 = arith.constant 0 : index
    %get3A_343 = arith.constant 0 : index
    %get3A_344 = vector.load %arg4[%get3A_342, %get3A_343] : memref<1x32xf32, #tpu.memory_space<vmem>>, vector<1x32xf32>
    %add3A = vector.broadcast %get3A_344 : vector<1x32xf32> to vector<268x32xf32>
    %add3A_345 = arith.addf %sub3A_341, %add3A : vector<268x32xf32>
    %max3A = arith.constant 0.000000e+00 : f32
    %max3A_346 = vector.broadcast %max3A : f32 to vector<268x32xf32>
    %max3A_347 = arith.maximumf %add3A_345, %max3A_346 : vector<268x32xf32>
    %slice3A_348 = vector.extract_strided_slice %dot_general3A_231 {offsets = [0, 0], sizes = [268, 32], strides = [1, 1]} : vector<268x96xf32> to vector<268x32xf32>
    %sub3A_349 = arith.subf %slice3A_348, %dot_general3A_297 : vector<268x32xf32>
    %get3A_350 = arith.constant 0 : index
    %get3A_351 = arith.constant 0 : index
    %get3A_352 = vector.load %arg4[%get3A_350, %get3A_351] : memref<1x32xf32, #tpu.memory_space<vmem>>, vector<1x32xf32>
    %add3A_353 = vector.broadcast %get3A_352 : vector<1x32xf32> to vector<268x32xf32>
    %add3A_354 = arith.addf %sub3A_349, %add3A_353 : vector<268x32xf32>
    %max3A_355 = arith.constant 0.000000e+00 : f32
    %max3A_356 = vector.broadcast %max3A_355 : f32 to vector<268x32xf32>
    %max3A_357 = arith.maximumf %add3A_354, %max3A_356 : vector<268x32xf32>
    %slice3A_358 = vector.extract_strided_slice %dot_general3A_236 {offsets = [0, 0], sizes = [268, 32], strides = [1, 1]} : vector<268x96xf32> to vector<268x32xf32>
    %sub3A_359 = arith.subf %slice3A_358, %dot_general3A_304 : vector<268x32xf32>
    %get3A_360 = arith.constant 0 : index
    %get3A_361 = arith.constant 0 : index
    %get3A_362 = vector.load %arg4[%get3A_360, %get3A_361] : memref<1x32xf32, #tpu.memory_space<vmem>>, vector<1x32xf32>
    %add3A_363 = vector.broadcast %get3A_362 : vector<1x32xf32> to vector<268x32xf32>
    %add3A_364 = arith.addf %sub3A_359, %add3A_363 : vector<268x32xf32>
    %max3A_365 = arith.constant 0.000000e+00 : f32
    %max3A_366 = vector.broadcast %max3A_365 : f32 to vector<268x32xf32>
    %max3A_367 = arith.maximumf %add3A_364, %max3A_366 : vector<268x32xf32>
    %slice3A_368 = vector.extract_strided_slice %dot_general3A_241 {offsets = [0, 0], sizes = [268, 32], strides = [1, 1]} : vector<268x96xf32> to vector<268x32xf32>
    %sub3A_369 = arith.subf %slice3A_368, %dot_general3A_311 : vector<268x32xf32>
    %get3A_370 = arith.constant 0 : index
    %get3A_371 = arith.constant 0 : index
    %get3A_372 = vector.load %arg4[%get3A_370, %get3A_371] : memref<1x32xf32, #tpu.memory_space<vmem>>, vector<1x32xf32>
    %add3A_373 = vector.broadcast %get3A_372 : vector<1x32xf32> to vector<268x32xf32>
    %add3A_374 = arith.addf %sub3A_369, %add3A_373 : vector<268x32xf32>
    %max3A_375 = arith.constant 0.000000e+00 : f32
    %max3A_376 = vector.broadcast %max3A_375 : f32 to vector<268x32xf32>
    %max3A_377 = arith.maximumf %add3A_374, %max3A_376 : vector<268x32xf32>
    %slice3A_378 = vector.extract_strided_slice %dot_general3A_246 {offsets = [0, 0], sizes = [268, 32], strides = [1, 1]} : vector<268x96xf32> to vector<268x32xf32>
    %sub3A_379 = arith.subf %slice3A_378, %dot_general3A_318 : vector<268x32xf32>
    %get3A_380 = arith.constant 0 : index
    %get3A_381 = arith.constant 0 : index
    %get3A_382 = vector.load %arg4[%get3A_380, %get3A_381] : memref<1x32xf32, #tpu.memory_space<vmem>>, vector<1x32xf32>
    %add3A_383 = vector.broadcast %get3A_382 : vector<1x32xf32> to vector<268x32xf32>
    %add3A_384 = arith.addf %sub3A_379, %add3A_383 : vector<268x32xf32>
    %max3A_385 = arith.constant 0.000000e+00 : f32
    %max3A_386 = vector.broadcast %max3A_385 : f32 to vector<268x32xf32>
    %max3A_387 = arith.maximumf %add3A_384, %max3A_386 : vector<268x32xf32>
    %slice3A_388 = vector.extract_strided_slice %dot_general3A_251 {offsets = [0, 0], sizes = [268, 32], strides = [1, 1]} : vector<268x96xf32> to vector<268x32xf32>
    %sub3A_389 = arith.subf %slice3A_388, %dot_general3A_325 : vector<268x32xf32>
    %get3A_390 = arith.constant 0 : index
    %get3A_391 = arith.constant 0 : index
    %get3A_392 = vector.load %arg4[%get3A_390, %get3A_391] : memref<1x32xf32, #tpu.memory_space<vmem>>, vector<1x32xf32>
    %add3A_393 = vector.broadcast %get3A_392 : vector<1x32xf32> to vector<268x32xf32>
    %add3A_394 = arith.addf %sub3A_389, %add3A_393 : vector<268x32xf32>
    %max3A_395 = arith.constant 0.000000e+00 : f32
    %max3A_396 = vector.broadcast %max3A_395 : f32 to vector<268x32xf32>
    %max3A_397 = arith.maximumf %add3A_394, %max3A_396 : vector<268x32xf32>
    %slice3A_398 = vector.extract_strided_slice %dot_general3A_256 {offsets = [0, 0], sizes = [268, 32], strides = [1, 1]} : vector<268x96xf32> to vector<268x32xf32>
    %sub3A_399 = arith.subf %slice3A_398, %dot_general3A_332 : vector<268x32xf32>
    %get3A_400 = arith.constant 0 : index
    %get3A_401 = arith.constant 0 : index
    %get3A_402 = vector.load %arg4[%get3A_400, %get3A_401] : memref<1x32xf32, #tpu.memory_space<vmem>>, vector<1x32xf32>
    %add3A_403 = vector.broadcast %get3A_402 : vector<1x32xf32> to vector<268x32xf32>
    %add3A_404 = arith.addf %sub3A_399, %add3A_403 : vector<268x32xf32>
    %max3A_405 = arith.constant 0.000000e+00 : f32
    %max3A_406 = vector.broadcast %max3A_405 : f32 to vector<268x32xf32>
    %max3A_407 = arith.maximumf %add3A_404, %max3A_406 : vector<268x32xf32>
    %slice3A_408 = vector.extract_strided_slice %dot_general3A_261 {offsets = [0, 0], sizes = [268, 32], strides = [1, 1]} : vector<268x96xf32> to vector<268x32xf32>
    %sub3A_409 = arith.subf %slice3A_408, %dot_general3A_339 : vector<268x32xf32>
    %get3A_410 = arith.constant 0 : index
    %get3A_411 = arith.constant 0 : index
    %get3A_412 = vector.load %arg4[%get3A_410, %get3A_411] : memref<1x32xf32, #tpu.memory_space<vmem>>, vector<1x32xf32>
    %add3A_413 = vector.broadcast %get3A_412 : vector<1x32xf32> to vector<268x32xf32>
    %add3A_414 = arith.addf %sub3A_409, %add3A_413 : vector<268x32xf32>
    %max3A_415 = arith.constant 0.000000e+00 : f32
    %max3A_416 = vector.broadcast %max3A_415 : f32 to vector<268x32xf32>
    %max3A_417 = arith.maximumf %add3A_414, %max3A_416 : vector<268x32xf32>
    %get3A_418 = arith.constant 0 : index
    %get3A_419 = arith.constant 0 : index
    %get3A_420 = vector.load %arg5[%get3A_418, %get3A_419] : memref<32x96xf32, #tpu.memory_space<vmem>>, vector<32x96xf32>
    %dot_general3A_421 = arith.constant dense<0.000000e+00> : vector<268x96xf32>
    %dot_general3A_422 = tpu.matmul %max3A_347, %get3A_420, %dot_general3A_421 {dimension_numbers = #tpu.dot_dimension_numbers<[1], [0], [0], [1], [0, 0, 1, 1], [], []>, transpose_lhs_hint = false} : vector<268x32xf32>, vector<32x96xf32>, vector<268x96xf32> -> vector<268x96xf32>
    %get3A_423 = arith.constant 0 : index
    %get3A_424 = arith.constant 0 : index
    %get3A_425 = vector.load %arg5[%get3A_423, %get3A_424] : memref<32x96xf32, #tpu.memory_space<vmem>>, vector<32x96xf32>
    %dot_general3A_426 = arith.constant dense<0.000000e+00> : vector<268x96xf32>
    %dot_general3A_427 = tpu.matmul %max3A_357, %get3A_425, %dot_general3A_426 {dimension_numbers = #tpu.dot_dimension_numbers<[1], [0], [0], [1], [0, 0, 1, 1], [], []>, transpose_lhs_hint = false} : vector<268x32xf32>, vector<32x96xf32>, vector<268x96xf32> -> vector<268x96xf32>
    %get3A_428 = arith.constant 0 : index
    %get3A_429 = arith.constant 0 : index
    %get3A_430 = vector.load %arg5[%get3A_428, %get3A_429] : memref<32x96xf32, #tpu.memory_space<vmem>>, vector<32x96xf32>
    %dot_general3A_431 = arith.constant dense<0.000000e+00> : vector<268x96xf32>
    %dot_general3A_432 = tpu.matmul %max3A_367, %get3A_430, %dot_general3A_431 {dimension_numbers = #tpu.dot_dimension_numbers<[1], [0], [0], [1], [0, 0, 1, 1], [], []>, transpose_lhs_hint = false} : vector<268x32xf32>, vector<32x96xf32>, vector<268x96xf32> -> vector<268x96xf32>
    %get3A_433 = arith.constant 0 : index
    %get3A_434 = arith.constant 0 : index
    %get3A_435 = vector.load %arg5[%get3A_433, %get3A_434] : memref<32x96xf32, #tpu.memory_space<vmem>>, vector<32x96xf32>
    %dot_general3A_436 = arith.constant dense<0.000000e+00> : vector<268x96xf32>
    %dot_general3A_437 = tpu.matmul %max3A_377, %get3A_435, %dot_general3A_436 {dimension_numbers = #tpu.dot_dimension_numbers<[1], [0], [0], [1], [0, 0, 1, 1], [], []>, transpose_lhs_hint = false} : vector<268x32xf32>, vector<32x96xf32>, vector<268x96xf32> -> vector<268x96xf32>
    %get3A_438 = arith.constant 0 : index
    %get3A_439 = arith.constant 0 : index
    %get3A_440 = vector.load %arg5[%get3A_438, %get3A_439] : memref<32x96xf32, #tpu.memory_space<vmem>>, vector<32x96xf32>
    %dot_general3A_441 = arith.constant dense<0.000000e+00> : vector<268x96xf32>
    %dot_general3A_442 = tpu.matmul %max3A_387, %get3A_440, %dot_general3A_441 {dimension_numbers = #tpu.dot_dimension_numbers<[1], [0], [0], [1], [0, 0, 1, 1], [], []>, transpose_lhs_hint = false} : vector<268x32xf32>, vector<32x96xf32>, vector<268x96xf32> -> vector<268x96xf32>
    %get3A_443 = arith.constant 0 : index
    %get3A_444 = arith.constant 0 : index
    %get3A_445 = vector.load %arg5[%get3A_443, %get3A_444] : memref<32x96xf32, #tpu.memory_space<vmem>>, vector<32x96xf32>
    %dot_general3A_446 = arith.constant dense<0.000000e+00> : vector<268x96xf32>
    %dot_general3A_447 = tpu.matmul %max3A_397, %get3A_445, %dot_general3A_446 {dimension_numbers = #tpu.dot_dimension_numbers<[1], [0], [0], [1], [0, 0, 1, 1], [], []>, transpose_lhs_hint = false} : vector<268x32xf32>, vector<32x96xf32>, vector<268x96xf32> -> vector<268x96xf32>
    %get3A_448 = arith.constant 0 : index
    %get3A_449 = arith.constant 0 : index
    %get3A_450 = vector.load %arg5[%get3A_448, %get3A_449] : memref<32x96xf32, #tpu.memory_space<vmem>>, vector<32x96xf32>
    %dot_general3A_451 = arith.constant dense<0.000000e+00> : vector<268x96xf32>
    %dot_general3A_452 = tpu.matmul %max3A_407, %get3A_450, %dot_general3A_451 {dimension_numbers = #tpu.dot_dimension_numbers<[1], [0], [0], [1], [0, 0, 1, 1], [], []>, transpose_lhs_hint = false} : vector<268x32xf32>, vector<32x96xf32>, vector<268x96xf32> -> vector<268x96xf32>
    %get3A_453 = arith.constant 0 : index
    %get3A_454 = arith.constant 0 : index
    %get3A_455 = vector.load %arg5[%get3A_453, %get3A_454] : memref<32x96xf32, #tpu.memory_space<vmem>>, vector<32x96xf32>
    %dot_general3A_456 = arith.constant dense<0.000000e+00> : vector<268x96xf32>
    %dot_general3A_457 = tpu.matmul %max3A_417, %get3A_455, %dot_general3A_456 {dimension_numbers = #tpu.dot_dimension_numbers<[1], [0], [0], [1], [0, 0, 1, 1], [], []>, transpose_lhs_hint = false} : vector<268x32xf32>, vector<32x96xf32>, vector<268x96xf32> -> vector<268x96xf32>
    %slice3A_458 = vector.extract_strided_slice %dot_general3A_422 {offsets = [0, 64], sizes = [268, 32], strides = [1, 1]} : vector<268x96xf32> to vector<268x32xf32>
    %dot_general3A_459 = arith.constant dense<0.000000e+00> : vector<268x32xf32>
    %dot_general3A_460 = tpu.matmul %mul3A_75, %slice3A_458, %dot_general3A_459 {dimension_numbers = #tpu.dot_dimension_numbers<[1], [0], [0], [1], [0, 0, 1, 1], [], []>, transpose_lhs_hint = false} : vector<268x268xf32>, vector<268x32xf32>, vector<268x32xf32> -> vector<268x32xf32>
    %slice3A_461 = vector.extract_strided_slice %dot_general3A_427 {offsets = [0, 64], sizes = [268, 32], strides = [1, 1]} : vector<268x96xf32> to vector<268x32xf32>
    %dot_general3A_462 = arith.constant dense<0.000000e+00> : vector<268x32xf32>
    %dot_general3A_463 = tpu.matmul %mul3A_96, %slice3A_461, %dot_general3A_462 {dimension_numbers = #tpu.dot_dimension_numbers<[1], [0], [0], [1], [0, 0, 1, 1], [], []>, transpose_lhs_hint = false} : vector<268x268xf32>, vector<268x32xf32>, vector<268x32xf32> -> vector<268x32xf32>
    %slice3A_464 = vector.extract_strided_slice %dot_general3A_432 {offsets = [0, 64], sizes = [268, 32], strides = [1, 1]} : vector<268x96xf32> to vector<268x32xf32>
    %dot_general3A_465 = arith.constant dense<0.000000e+00> : vector<268x32xf32>
    %dot_general3A_466 = tpu.matmul %mul3A_117, %slice3A_464, %dot_general3A_465 {dimension_numbers = #tpu.dot_dimension_numbers<[1], [0], [0], [1], [0, 0, 1, 1], [], []>, transpose_lhs_hint = false} : vector<268x268xf32>, vector<268x32xf32>, vector<268x32xf32> -> vector<268x32xf32>
    %slice3A_467 = vector.extract_strided_slice %dot_general3A_437 {offsets = [0, 64], sizes = [268, 32], strides = [1, 1]} : vector<268x96xf32> to vector<268x32xf32>
    %dot_general3A_468 = arith.constant dense<0.000000e+00> : vector<268x32xf32>
    %dot_general3A_469 = tpu.matmul %mul3A_138, %slice3A_467, %dot_general3A_468 {dimension_numbers = #tpu.dot_dimension_numbers<[1], [0], [0], [1], [0, 0, 1, 1], [], []>, transpose_lhs_hint = false} : vector<268x268xf32>, vector<268x32xf32>, vector<268x32xf32> -> vector<268x32xf32>
    %slice3A_470 = vector.extract_strided_slice %dot_general3A_442 {offsets = [0, 64], sizes = [268, 32], strides = [1, 1]} : vector<268x96xf32> to vector<268x32xf32>
    %dot_general3A_471 = arith.constant dense<0.000000e+00> : vector<268x32xf32>
    %dot_general3A_472 = tpu.matmul %mul3A_159, %slice3A_470, %dot_general3A_471 {dimension_numbers = #tpu.dot_dimension_numbers<[1], [0], [0], [1], [0, 0, 1, 1], [], []>, transpose_lhs_hint = false} : vector<268x268xf32>, vector<268x32xf32>, vector<268x32xf32> -> vector<268x32xf32>
    %slice3A_473 = vector.extract_strided_slice %dot_general3A_447 {offsets = [0, 64], sizes = [268, 32], strides = [1, 1]} : vector<268x96xf32> to vector<268x32xf32>
    %dot_general3A_474 = arith.constant dense<0.000000e+00> : vector<268x32xf32>
    %dot_general3A_475 = tpu.matmul %mul3A_180, %slice3A_473, %dot_general3A_474 {dimension_numbers = #tpu.dot_dimension_numbers<[1], [0], [0], [1], [0, 0, 1, 1], [], []>, transpose_lhs_hint = false} : vector<268x268xf32>, vector<268x32xf32>, vector<268x32xf32> -> vector<268x32xf32>
    %slice3A_476 = vector.extract_strided_slice %dot_general3A_452 {offsets = [0, 64], sizes = [268, 32], strides = [1, 1]} : vector<268x96xf32> to vector<268x32xf32>
    %dot_general3A_477 = arith.constant dense<0.000000e+00> : vector<268x32xf32>
    %dot_general3A_478 = tpu.matmul %mul3A_201, %slice3A_476, %dot_general3A_477 {dimension_numbers = #tpu.dot_dimension_numbers<[1], [0], [0], [1], [0, 0, 1, 1], [], []>, transpose_lhs_hint = false} : vector<268x268xf32>, vector<268x32xf32>, vector<268x32xf32> -> vector<268x32xf32>
    %slice3A_479 = vector.extract_strided_slice %dot_general3A_457 {offsets = [0, 64], sizes = [268, 32], strides = [1, 1]} : vector<268x96xf32> to vector<268x32xf32>
    %dot_general3A_480 = arith.constant dense<0.000000e+00> : vector<268x32xf32>
    %dot_general3A_481 = tpu.matmul %mul3A_222, %slice3A_479, %dot_general3A_480 {dimension_numbers = #tpu.dot_dimension_numbers<[1], [0], [0], [1], [0, 0, 1, 1], [], []>, transpose_lhs_hint = false} : vector<268x268xf32>, vector<268x32xf32>, vector<268x32xf32> -> vector<268x32xf32>
    %slice3A_482 = vector.extract_strided_slice %dot_general3A_422 {offsets = [0, 32], sizes = [268, 32], strides = [1, 1]} : vector<268x96xf32> to vector<268x32xf32>
    %mul3A_483 = arith.constant 2.000000e+00 : f32
    %mul3A_484 = vector.broadcast %mul3A_483 : f32 to vector<268x32xf32>
    %mul3A_485 = arith.mulf %mul3A_484, %dot_general3A_460 : vector<268x32xf32>
    %sub3A_486 = arith.subf %slice3A_482, %mul3A_485 : vector<268x32xf32>
    %dot_general3A_487 = arith.constant dense<0.000000e+00> : vector<268x32xf32>
    %dot_general3A_488 = tpu.matmul %mul3A_75, %sub3A_486, %dot_general3A_487 {dimension_numbers = #tpu.dot_dimension_numbers<[1], [0], [0], [1], [0, 0, 1, 1], [], []>, transpose_lhs_hint = false} : vector<268x268xf32>, vector<268x32xf32>, vector<268x32xf32> -> vector<268x32xf32>
    %slice3A_489 = vector.extract_strided_slice %dot_general3A_427 {offsets = [0, 32], sizes = [268, 32], strides = [1, 1]} : vector<268x96xf32> to vector<268x32xf32>
    %mul3A_490 = arith.constant 2.000000e+00 : f32
    %mul3A_491 = vector.broadcast %mul3A_490 : f32 to vector<268x32xf32>
    %mul3A_492 = arith.mulf %mul3A_491, %dot_general3A_463 : vector<268x32xf32>
    %sub3A_493 = arith.subf %slice3A_489, %mul3A_492 : vector<268x32xf32>
    %dot_general3A_494 = arith.constant dense<0.000000e+00> : vector<268x32xf32>
    %dot_general3A_495 = tpu.matmul %mul3A_96, %sub3A_493, %dot_general3A_494 {dimension_numbers = #tpu.dot_dimension_numbers<[1], [0], [0], [1], [0, 0, 1, 1], [], []>, transpose_lhs_hint = false} : vector<268x268xf32>, vector<268x32xf32>, vector<268x32xf32> -> vector<268x32xf32>
    %slice3A_496 = vector.extract_strided_slice %dot_general3A_432 {offsets = [0, 32], sizes = [268, 32], strides = [1, 1]} : vector<268x96xf32> to vector<268x32xf32>
    %mul3A_497 = arith.constant 2.000000e+00 : f32
    %mul3A_498 = vector.broadcast %mul3A_497 : f32 to vector<268x32xf32>
    %mul3A_499 = arith.mulf %mul3A_498, %dot_general3A_466 : vector<268x32xf32>
    %sub3A_500 = arith.subf %slice3A_496, %mul3A_499 : vector<268x32xf32>
    %dot_general3A_501 = arith.constant dense<0.000000e+00> : vector<268x32xf32>
    %dot_general3A_502 = tpu.matmul %mul3A_117, %sub3A_500, %dot_general3A_501 {dimension_numbers = #tpu.dot_dimension_numbers<[1], [0], [0], [1], [0, 0, 1, 1], [], []>, transpose_lhs_hint = false} : vector<268x268xf32>, vector<268x32xf32>, vector<268x32xf32> -> vector<268x32xf32>
    %slice3A_503 = vector.extract_strided_slice %dot_general3A_437 {offsets = [0, 32], sizes = [268, 32], strides = [1, 1]} : vector<268x96xf32> to vector<268x32xf32>
    %mul3A_504 = arith.constant 2.000000e+00 : f32
    %mul3A_505 = vector.broadcast %mul3A_504 : f32 to vector<268x32xf32>
    %mul3A_506 = arith.mulf %mul3A_505, %dot_general3A_469 : vector<268x32xf32>
    %sub3A_507 = arith.subf %slice3A_503, %mul3A_506 : vector<268x32xf32>
    %dot_general3A_508 = arith.constant dense<0.000000e+00> : vector<268x32xf32>
    %dot_general3A_509 = tpu.matmul %mul3A_138, %sub3A_507, %dot_general3A_508 {dimension_numbers = #tpu.dot_dimension_numbers<[1], [0], [0], [1], [0, 0, 1, 1], [], []>, transpose_lhs_hint = false} : vector<268x268xf32>, vector<268x32xf32>, vector<268x32xf32> -> vector<268x32xf32>
    %slice3A_510 = vector.extract_strided_slice %dot_general3A_442 {offsets = [0, 32], sizes = [268, 32], strides = [1, 1]} : vector<268x96xf32> to vector<268x32xf32>
    %mul3A_511 = arith.constant 2.000000e+00 : f32
    %mul3A_512 = vector.broadcast %mul3A_511 : f32 to vector<268x32xf32>
    %mul3A_513 = arith.mulf %mul3A_512, %dot_general3A_472 : vector<268x32xf32>
    %sub3A_514 = arith.subf %slice3A_510, %mul3A_513 : vector<268x32xf32>
    %dot_general3A_515 = arith.constant dense<0.000000e+00> : vector<268x32xf32>
    %dot_general3A_516 = tpu.matmul %mul3A_159, %sub3A_514, %dot_general3A_515 {dimension_numbers = #tpu.dot_dimension_numbers<[1], [0], [0], [1], [0, 0, 1, 1], [], []>, transpose_lhs_hint = false} : vector<268x268xf32>, vector<268x32xf32>, vector<268x32xf32> -> vector<268x32xf32>
    %slice3A_517 = vector.extract_strided_slice %dot_general3A_447 {offsets = [0, 32], sizes = [268, 32], strides = [1, 1]} : vector<268x96xf32> to vector<268x32xf32>
    %mul3A_518 = arith.constant 2.000000e+00 : f32
    %mul3A_519 = vector.broadcast %mul3A_518 : f32 to vector<268x32xf32>
    %mul3A_520 = arith.mulf %mul3A_519, %dot_general3A_475 : vector<268x32xf32>
    %sub3A_521 = arith.subf %slice3A_517, %mul3A_520 : vector<268x32xf32>
    %dot_general3A_522 = arith.constant dense<0.000000e+00> : vector<268x32xf32>
    %dot_general3A_523 = tpu.matmul %mul3A_180, %sub3A_521, %dot_general3A_522 {dimension_numbers = #tpu.dot_dimension_numbers<[1], [0], [0], [1], [0, 0, 1, 1], [], []>, transpose_lhs_hint = false} : vector<268x268xf32>, vector<268x32xf32>, vector<268x32xf32> -> vector<268x32xf32>
    %slice3A_524 = vector.extract_strided_slice %dot_general3A_452 {offsets = [0, 32], sizes = [268, 32], strides = [1, 1]} : vector<268x96xf32> to vector<268x32xf32>
    %mul3A_525 = arith.constant 2.000000e+00 : f32
    %mul3A_526 = vector.broadcast %mul3A_525 : f32 to vector<268x32xf32>
    %mul3A_527 = arith.mulf %mul3A_526, %dot_general3A_478 : vector<268x32xf32>
    %sub3A_528 = arith.subf %slice3A_524, %mul3A_527 : vector<268x32xf32>
    %dot_general3A_529 = arith.constant dense<0.000000e+00> : vector<268x32xf32>
    %dot_general3A_530 = tpu.matmul %mul3A_201, %sub3A_528, %dot_general3A_529 {dimension_numbers = #tpu.dot_dimension_numbers<[1], [0], [0], [1], [0, 0, 1, 1], [], []>, transpose_lhs_hint = false} : vector<268x268xf32>, vector<268x32xf32>, vector<268x32xf32> -> vector<268x32xf32>
    %slice3A_531 = vector.extract_strided_slice %dot_general3A_457 {offsets = [0, 32], sizes = [268, 32], strides = [1, 1]} : vector<268x96xf32> to vector<268x32xf32>
    %mul3A_532 = arith.constant 2.000000e+00 : f32
    %mul3A_533 = vector.broadcast %mul3A_532 : f32 to vector<268x32xf32>
    %mul3A_534 = arith.mulf %mul3A_533, %dot_general3A_481 : vector<268x32xf32>
    %sub3A_535 = arith.subf %slice3A_531, %mul3A_534 : vector<268x32xf32>
    %dot_general3A_536 = arith.constant dense<0.000000e+00> : vector<268x32xf32>
    %dot_general3A_537 = tpu.matmul %mul3A_222, %sub3A_535, %dot_general3A_536 {dimension_numbers = #tpu.dot_dimension_numbers<[1], [0], [0], [1], [0, 0, 1, 1], [], []>, transpose_lhs_hint = false} : vector<268x268xf32>, vector<268x32xf32>, vector<268x32xf32> -> vector<268x32xf32>
    %slice3A_538 = vector.extract_strided_slice %dot_general3A_422 {offsets = [0, 0], sizes = [268, 32], strides = [1, 1]} : vector<268x96xf32> to vector<268x32xf32>
    %sub3A_539 = arith.subf %slice3A_538, %dot_general3A_488 : vector<268x32xf32>
    %get3A_540 = arith.constant 0 : index
    %get3A_541 = arith.constant 0 : index
    %get3A_542 = vector.load %arg6[%get3A_540, %get3A_541] : memref<1x32xf32, #tpu.memory_space<vmem>>, vector<1x32xf32>
    %add3A_543 = vector.broadcast %get3A_542 : vector<1x32xf32> to vector<268x32xf32>
    %add3A_544 = arith.addf %sub3A_539, %add3A_543 : vector<268x32xf32>
    %slice3A_545 = vector.extract_strided_slice %dot_general3A_427 {offsets = [0, 0], sizes = [268, 32], strides = [1, 1]} : vector<268x96xf32> to vector<268x32xf32>
    %sub3A_546 = arith.subf %slice3A_545, %dot_general3A_495 : vector<268x32xf32>
    %get3A_547 = arith.constant 0 : index
    %get3A_548 = arith.constant 0 : index
    %get3A_549 = vector.load %arg6[%get3A_547, %get3A_548] : memref<1x32xf32, #tpu.memory_space<vmem>>, vector<1x32xf32>
    %add3A_550 = vector.broadcast %get3A_549 : vector<1x32xf32> to vector<268x32xf32>
    %add3A_551 = arith.addf %sub3A_546, %add3A_550 : vector<268x32xf32>
    %slice3A_552 = vector.extract_strided_slice %dot_general3A_432 {offsets = [0, 0], sizes = [268, 32], strides = [1, 1]} : vector<268x96xf32> to vector<268x32xf32>
    %sub3A_553 = arith.subf %slice3A_552, %dot_general3A_502 : vector<268x32xf32>
    %get3A_554 = arith.constant 0 : index
    %get3A_555 = arith.constant 0 : index
    %get3A_556 = vector.load %arg6[%get3A_554, %get3A_555] : memref<1x32xf32, #tpu.memory_space<vmem>>, vector<1x32xf32>
    %add3A_557 = vector.broadcast %get3A_556 : vector<1x32xf32> to vector<268x32xf32>
    %add3A_558 = arith.addf %sub3A_553, %add3A_557 : vector<268x32xf32>
    %slice3A_559 = vector.extract_strided_slice %dot_general3A_437 {offsets = [0, 0], sizes = [268, 32], strides = [1, 1]} : vector<268x96xf32> to vector<268x32xf32>
    %sub3A_560 = arith.subf %slice3A_559, %dot_general3A_509 : vector<268x32xf32>
    %get3A_561 = arith.constant 0 : index
    %get3A_562 = arith.constant 0 : index
    %get3A_563 = vector.load %arg6[%get3A_561, %get3A_562] : memref<1x32xf32, #tpu.memory_space<vmem>>, vector<1x32xf32>
    %add3A_564 = vector.broadcast %get3A_563 : vector<1x32xf32> to vector<268x32xf32>
    %add3A_565 = arith.addf %sub3A_560, %add3A_564 : vector<268x32xf32>
    %slice3A_566 = vector.extract_strided_slice %dot_general3A_442 {offsets = [0, 0], sizes = [268, 32], strides = [1, 1]} : vector<268x96xf32> to vector<268x32xf32>
    %sub3A_567 = arith.subf %slice3A_566, %dot_general3A_516 : vector<268x32xf32>
    %get3A_568 = arith.constant 0 : index
    %get3A_569 = arith.constant 0 : index
    %get3A_570 = vector.load %arg6[%get3A_568, %get3A_569] : memref<1x32xf32, #tpu.memory_space<vmem>>, vector<1x32xf32>
    %add3A_571 = vector.broadcast %get3A_570 : vector<1x32xf32> to vector<268x32xf32>
    %add3A_572 = arith.addf %sub3A_567, %add3A_571 : vector<268x32xf32>
    %slice3A_573 = vector.extract_strided_slice %dot_general3A_447 {offsets = [0, 0], sizes = [268, 32], strides = [1, 1]} : vector<268x96xf32> to vector<268x32xf32>
    %sub3A_574 = arith.subf %slice3A_573, %dot_general3A_523 : vector<268x32xf32>
    %get3A_575 = arith.constant 0 : index
    %get3A_576 = arith.constant 0 : index
    %get3A_577 = vector.load %arg6[%get3A_575, %get3A_576] : memref<1x32xf32, #tpu.memory_space<vmem>>, vector<1x32xf32>
    %add3A_578 = vector.broadcast %get3A_577 : vector<1x32xf32> to vector<268x32xf32>
    %add3A_579 = arith.addf %sub3A_574, %add3A_578 : vector<268x32xf32>
    %slice3A_580 = vector.extract_strided_slice %dot_general3A_452 {offsets = [0, 0], sizes = [268, 32], strides = [1, 1]} : vector<268x96xf32> to vector<268x32xf32>
    %sub3A_581 = arith.subf %slice3A_580, %dot_general3A_530 : vector<268x32xf32>
    %get3A_582 = arith.constant 0 : index
    %get3A_583 = arith.constant 0 : index
    %get3A_584 = vector.load %arg6[%get3A_582, %get3A_583] : memref<1x32xf32, #tpu.memory_space<vmem>>, vector<1x32xf32>
    %add3A_585 = vector.broadcast %get3A_584 : vector<1x32xf32> to vector<268x32xf32>
    %add3A_586 = arith.addf %sub3A_581, %add3A_585 : vector<268x32xf32>
    %slice3A_587 = vector.extract_strided_slice %dot_general3A_457 {offsets = [0, 0], sizes = [268, 32], strides = [1, 1]} : vector<268x96xf32> to vector<268x32xf32>
    %sub3A_588 = arith.subf %slice3A_587, %dot_general3A_537 : vector<268x32xf32>
    %get3A_589 = arith.constant 0 : index
    %get3A_590 = arith.constant 0 : index
    %get3A_591 = vector.load %arg6[%get3A_589, %get3A_590] : memref<1x32xf32, #tpu.memory_space<vmem>>, vector<1x32xf32>
    %add3A_592 = vector.broadcast %get3A_591 : vector<1x32xf32> to vector<268x32xf32>
    %add3A_593 = arith.addf %sub3A_588, %add3A_592 : vector<268x32xf32>
    %get3A_594 = arith.constant 0 : index
    %get3A_595 = arith.constant 0 : index
    %get3A_596 = vector.load %arg7[%get3A_594, %get3A_595] : memref<268x100xf32, #tpu.memory_space<vmem>>, vector<268x100xf32>
    %dot_general3A_597 = arith.constant dense<0.000000e+00> : vector<32x100xf32>
    %dot_general3A_598 = tpu.matmul %add3A_544, %get3A_596, %dot_general3A_597 {dimension_numbers = #tpu.dot_dimension_numbers<[0], [0], [1], [1], [0, 1, 1, 1], [], []>, transpose_lhs_hint = false} : vector<268x32xf32>, vector<268x100xf32>, vector<32x100xf32> -> vector<32x100xf32>
    %get3A_599 = arith.constant 0 : index
    %get3A_600 = arith.constant 0 : index
    %get3A_601 = vector.load %arg7[%get3A_599, %get3A_600] : memref<268x100xf32, #tpu.memory_space<vmem>>, vector<268x100xf32>
    %dot_general3A_602 = arith.constant dense<0.000000e+00> : vector<32x100xf32>
    %dot_general3A_603 = tpu.matmul %add3A_551, %get3A_601, %dot_general3A_602 {dimension_numbers = #tpu.dot_dimension_numbers<[0], [0], [1], [1], [0, 1, 1, 1], [], []>, transpose_lhs_hint = false} : vector<268x32xf32>, vector<268x100xf32>, vector<32x100xf32> -> vector<32x100xf32>
    %get3A_604 = arith.constant 0 : index
    %get3A_605 = arith.constant 0 : index
    %get3A_606 = vector.load %arg7[%get3A_604, %get3A_605] : memref<268x100xf32, #tpu.memory_space<vmem>>, vector<268x100xf32>
    %dot_general3A_607 = arith.constant dense<0.000000e+00> : vector<32x100xf32>
    %dot_general3A_608 = tpu.matmul %add3A_558, %get3A_606, %dot_general3A_607 {dimension_numbers = #tpu.dot_dimension_numbers<[0], [0], [1], [1], [0, 1, 1, 1], [], []>, transpose_lhs_hint = false} : vector<268x32xf32>, vector<268x100xf32>, vector<32x100xf32> -> vector<32x100xf32>
    %get3A_609 = arith.constant 0 : index
    %get3A_610 = arith.constant 0 : index
    %get3A_611 = vector.load %arg7[%get3A_609, %get3A_610] : memref<268x100xf32, #tpu.memory_space<vmem>>, vector<268x100xf32>
    %dot_general3A_612 = arith.constant dense<0.000000e+00> : vector<32x100xf32>
    %dot_general3A_613 = tpu.matmul %add3A_565, %get3A_611, %dot_general3A_612 {dimension_numbers = #tpu.dot_dimension_numbers<[0], [0], [1], [1], [0, 1, 1, 1], [], []>, transpose_lhs_hint = false} : vector<268x32xf32>, vector<268x100xf32>, vector<32x100xf32> -> vector<32x100xf32>
    %get3A_614 = arith.constant 0 : index
    %get3A_615 = arith.constant 0 : index
    %get3A_616 = vector.load %arg7[%get3A_614, %get3A_615] : memref<268x100xf32, #tpu.memory_space<vmem>>, vector<268x100xf32>
    %dot_general3A_617 = arith.constant dense<0.000000e+00> : vector<32x100xf32>
    %dot_general3A_618 = tpu.matmul %add3A_572, %get3A_616, %dot_general3A_617 {dimension_numbers = #tpu.dot_dimension_numbers<[0], [0], [1], [1], [0, 1, 1, 1], [], []>, transpose_lhs_hint = false} : vector<268x32xf32>, vector<268x100xf32>, vector<32x100xf32> -> vector<32x100xf32>
    %get3A_619 = arith.constant 0 : index
    %get3A_620 = arith.constant 0 : index
    %get3A_621 = vector.load %arg7[%get3A_619, %get3A_620] : memref<268x100xf32, #tpu.memory_space<vmem>>, vector<268x100xf32>
    %dot_general3A_622 = arith.constant dense<0.000000e+00> : vector<32x100xf32>
    %dot_general3A_623 = tpu.matmul %add3A_579, %get3A_621, %dot_general3A_622 {dimension_numbers = #tpu.dot_dimension_numbers<[0], [0], [1], [1], [0, 1, 1, 1], [], []>, transpose_lhs_hint = false} : vector<268x32xf32>, vector<268x100xf32>, vector<32x100xf32> -> vector<32x100xf32>
    %get3A_624 = arith.constant 0 : index
    %get3A_625 = arith.constant 0 : index
    %get3A_626 = vector.load %arg7[%get3A_624, %get3A_625] : memref<268x100xf32, #tpu.memory_space<vmem>>, vector<268x100xf32>
    %dot_general3A_627 = arith.constant dense<0.000000e+00> : vector<32x100xf32>
    %dot_general3A_628 = tpu.matmul %add3A_586, %get3A_626, %dot_general3A_627 {dimension_numbers = #tpu.dot_dimension_numbers<[0], [0], [1], [1], [0, 1, 1, 1], [], []>, transpose_lhs_hint = false} : vector<268x32xf32>, vector<268x100xf32>, vector<32x100xf32> -> vector<32x100xf32>
    %get3A_629 = arith.constant 0 : index
    %get3A_630 = arith.constant 0 : index
    %get3A_631 = vector.load %arg7[%get3A_629, %get3A_630] : memref<268x100xf32, #tpu.memory_space<vmem>>, vector<268x100xf32>
    %dot_general3A_632 = arith.constant dense<0.000000e+00> : vector<32x100xf32>
    %dot_general3A_633 = tpu.matmul %add3A_593, %get3A_631, %dot_general3A_632 {dimension_numbers = #tpu.dot_dimension_numbers<[0], [0], [1], [1], [0, 1, 1, 1], [], []>, transpose_lhs_hint = false} : vector<268x32xf32>, vector<268x100xf32>, vector<32x100xf32> -> vector<32x100xf32>
    %get3A_634 = arith.constant 0 : index
    %get3A_635 = arith.constant 0 : index
    %get3A_636 = vector.load %arg8[%get3A_634, %get3A_635] : memref<1x100xf32, #tpu.memory_space<vmem>>, vector<1x100xf32>
    %add3A_637 = vector.broadcast %get3A_636 : vector<1x100xf32> to vector<32x100xf32>
    %add3A_638 = arith.addf %dot_general3A_598, %add3A_637 : vector<32x100xf32>
    %max3A_639 = arith.constant 0.000000e+00 : f32
    %max3A_640 = vector.broadcast %max3A_639 : f32 to vector<32x100xf32>
    %max3A_641 = arith.maximumf %add3A_638, %max3A_640 : vector<32x100xf32>
    %get3A_642 = arith.constant 0 : index
    %get3A_643 = arith.constant 0 : index
    %get3A_644 = vector.load %arg8[%get3A_642, %get3A_643] : memref<1x100xf32, #tpu.memory_space<vmem>>, vector<1x100xf32>
    %add3A_645 = vector.broadcast %get3A_644 : vector<1x100xf32> to vector<32x100xf32>
    %add3A_646 = arith.addf %dot_general3A_603, %add3A_645 : vector<32x100xf32>
    %max3A_647 = arith.constant 0.000000e+00 : f32
    %max3A_648 = vector.broadcast %max3A_647 : f32 to vector<32x100xf32>
    %max3A_649 = arith.maximumf %add3A_646, %max3A_648 : vector<32x100xf32>
    %get3A_650 = arith.constant 0 : index
    %get3A_651 = arith.constant 0 : index
    %get3A_652 = vector.load %arg8[%get3A_650, %get3A_651] : memref<1x100xf32, #tpu.memory_space<vmem>>, vector<1x100xf32>
    %add3A_653 = vector.broadcast %get3A_652 : vector<1x100xf32> to vector<32x100xf32>
    %add3A_654 = arith.addf %dot_general3A_608, %add3A_653 : vector<32x100xf32>
    %max3A_655 = arith.constant 0.000000e+00 : f32
    %max3A_656 = vector.broadcast %max3A_655 : f32 to vector<32x100xf32>
    %max3A_657 = arith.maximumf %add3A_654, %max3A_656 : vector<32x100xf32>
    %get3A_658 = arith.constant 0 : index
    %get3A_659 = arith.constant 0 : index
    %get3A_660 = vector.load %arg8[%get3A_658, %get3A_659] : memref<1x100xf32, #tpu.memory_space<vmem>>, vector<1x100xf32>
    %add3A_661 = vector.broadcast %get3A_660 : vector<1x100xf32> to vector<32x100xf32>
    %add3A_662 = arith.addf %dot_general3A_613, %add3A_661 : vector<32x100xf32>
    %max3A_663 = arith.constant 0.000000e+00 : f32
    %max3A_664 = vector.broadcast %max3A_663 : f32 to vector<32x100xf32>
    %max3A_665 = arith.maximumf %add3A_662, %max3A_664 : vector<32x100xf32>
    %get3A_666 = arith.constant 0 : index
    %get3A_667 = arith.constant 0 : index
    %get3A_668 = vector.load %arg8[%get3A_666, %get3A_667] : memref<1x100xf32, #tpu.memory_space<vmem>>, vector<1x100xf32>
    %add3A_669 = vector.broadcast %get3A_668 : vector<1x100xf32> to vector<32x100xf32>
    %add3A_670 = arith.addf %dot_general3A_618, %add3A_669 : vector<32x100xf32>
    %max3A_671 = arith.constant 0.000000e+00 : f32
    %max3A_672 = vector.broadcast %max3A_671 : f32 to vector<32x100xf32>
    %max3A_673 = arith.maximumf %add3A_670, %max3A_672 : vector<32x100xf32>
    %get3A_674 = arith.constant 0 : index
    %get3A_675 = arith.constant 0 : index
    %get3A_676 = vector.load %arg8[%get3A_674, %get3A_675] : memref<1x100xf32, #tpu.memory_space<vmem>>, vector<1x100xf32>
    %add3A_677 = vector.broadcast %get3A_676 : vector<1x100xf32> to vector<32x100xf32>
    %add3A_678 = arith.addf %dot_general3A_623, %add3A_677 : vector<32x100xf32>
    %max3A_679 = arith.constant 0.000000e+00 : f32
    %max3A_680 = vector.broadcast %max3A_679 : f32 to vector<32x100xf32>
    %max3A_681 = arith.maximumf %add3A_678, %max3A_680 : vector<32x100xf32>
    %get3A_682 = arith.constant 0 : index
    %get3A_683 = arith.constant 0 : index
    %get3A_684 = vector.load %arg8[%get3A_682, %get3A_683] : memref<1x100xf32, #tpu.memory_space<vmem>>, vector<1x100xf32>
    %add3A_685 = vector.broadcast %get3A_684 : vector<1x100xf32> to vector<32x100xf32>
    %add3A_686 = arith.addf %dot_general3A_628, %add3A_685 : vector<32x100xf32>
    %max3A_687 = arith.constant 0.000000e+00 : f32
    %max3A_688 = vector.broadcast %max3A_687 : f32 to vector<32x100xf32>
    %max3A_689 = arith.maximumf %add3A_686, %max3A_688 : vector<32x100xf32>
    %get3A_690 = arith.constant 0 : index
    %get3A_691 = arith.constant 0 : index
    %get3A_692 = vector.load %arg8[%get3A_690, %get3A_691] : memref<1x100xf32, #tpu.memory_space<vmem>>, vector<1x100xf32>
    %add3A_693 = vector.broadcast %get3A_692 : vector<1x100xf32> to vector<32x100xf32>
    %add3A_694 = arith.addf %dot_general3A_633, %add3A_693 : vector<32x100xf32>
    %max3A_695 = arith.constant 0.000000e+00 : f32
    %max3A_696 = vector.broadcast %max3A_695 : f32 to vector<32x100xf32>
    %max3A_697 = arith.maximumf %add3A_694, %max3A_696 : vector<32x100xf32>
    %get3A_698 = arith.constant 0 : index
    %get3A_699 = arith.constant 0 : index
    %get3A_700 = vector.load %arg9[%get3A_698, %get3A_699] : memref<100x60xf32, #tpu.memory_space<vmem>>, vector<100x60xf32>
    %dot_general3A_701 = arith.constant dense<0.000000e+00> : vector<32x60xf32>
    %dot_general3A_702 = tpu.matmul %max3A_641, %get3A_700, %dot_general3A_701 {dimension_numbers = #tpu.dot_dimension_numbers<[1], [0], [0], [1], [0, 0, 1, 1], [], []>, transpose_lhs_hint = false} : vector<32x100xf32>, vector<100x60xf32>, vector<32x60xf32> -> vector<32x60xf32>
    %get3A_703 = arith.constant 0 : index
    %get3A_704 = arith.constant 0 : index
    %get3A_705 = vector.load %arg10[%get3A_703, %get3A_704] : memref<1x60xf32, #tpu.memory_space<vmem>>, vector<1x60xf32>
    %add3A_706 = vector.broadcast %get3A_705 : vector<1x60xf32> to vector<32x60xf32>
    %add3A_707 = arith.addf %dot_general3A_702, %add3A_706 : vector<32x60xf32>
    %swap3A = arith.constant 0 : index
    %swap3A_708 = arith.constant 0 : index
    %swap3A_709 = arith.constant 0 : index
    %swap3A_710 = vector.load %arg11[%swap3A, %swap3A_708, %swap3A_709] : memref<8x32x60xf32, #tpu.memory_space<vmem>>, vector<1x32x60xf32>
    %swap3A_711 = vector.shape_cast %swap3A_710 : vector<1x32x60xf32> to vector<32x60xf32>
    %swap3A_712 = vector.shape_cast %add3A_707 : vector<32x60xf32> to vector<1x32x60xf32>
    tpu.vector_store %arg11[%swap3A, %swap3A_708, %swap3A_709], %swap3A_712 {strides = array<i32>} : memref<8x32x60xf32, #tpu.memory_space<vmem>>, vector<1x32x60xf32>,
    %get3A_713 = arith.constant 0 : index
    %get3A_714 = arith.constant 0 : index
    %get3A_715 = vector.load %arg9[%get3A_713, %get3A_714] : memref<100x60xf32, #tpu.memory_space<vmem>>, vector<100x60xf32>
    %dot_general3A_716 = arith.constant dense<0.000000e+00> : vector<32x60xf32>
    %dot_general3A_717 = tpu.matmul %max3A_649, %get3A_715, %dot_general3A_716 {dimension_numbers = #tpu.dot_dimension_numbers<[1], [0], [0], [1], [0, 0, 1, 1], [], []>, transpose_lhs_hint = false} : vector<32x100xf32>, vector<100x60xf32>, vector<32x60xf32> -> vector<32x60xf32>
    %get3A_718 = arith.constant 0 : index
    %get3A_719 = arith.constant 0 : index
    %get3A_720 = vector.load %arg10[%get3A_718, %get3A_719] : memref<1x60xf32, #tpu.memory_space<vmem>>, vector<1x60xf32>
    %add3A_721 = vector.broadcast %get3A_720 : vector<1x60xf32> to vector<32x60xf32>
    %add3A_722 = arith.addf %dot_general3A_717, %add3A_721 : vector<32x60xf32>
    %swap3A_723 = arith.constant 1 : index
    %swap3A_724 = arith.constant 0 : index
    %swap3A_725 = arith.constant 0 : index
    %swap3A_726 = vector.load %arg11[%swap3A_723, %swap3A_724, %swap3A_725] : memref<8x32x60xf32, #tpu.memory_space<vmem>>, vector<1x32x60xf32>
    %swap3A_727 = vector.shape_cast %swap3A_726 : vector<1x32x60xf32> to vector<32x60xf32>
    %swap3A_728 = vector.shape_cast %add3A_722 : vector<32x60xf32> to vector<1x32x60xf32>
    tpu.vector_store %arg11[%swap3A_723, %swap3A_724, %swap3A_725], %swap3A_728 {strides = array<i32>} : memref<8x32x60xf32, #tpu.memory_space<vmem>>, vector<1x32x60xf32>,
    %get3A_729 = arith.constant 0 : index
    %get3A_730 = arith.constant 0 : index
    %get3A_731 = vector.load %arg9[%get3A_729, %get3A_730] : memref<100x60xf32, #tpu.memory_space<vmem>>, vector<100x60xf32>
    %dot_general3A_732 = arith.constant dense<0.000000e+00> : vector<32x60xf32>
    %dot_general3A_733 = tpu.matmul %max3A_657, %get3A_731, %dot_general3A_732 {dimension_numbers = #tpu.dot_dimension_numbers<[1], [0], [0], [1], [0, 0, 1, 1], [], []>, transpose_lhs_hint = false} : vector<32x100xf32>, vector<100x60xf32>, vector<32x60xf32> -> vector<32x60xf32>
    %get3A_734 = arith.constant 0 : index
    %get3A_735 = arith.constant 0 : index
    %get3A_736 = vector.load %arg10[%get3A_734, %get3A_735] : memref<1x60xf32, #tpu.memory_space<vmem>>, vector<1x60xf32>
    %add3A_737 = vector.broadcast %get3A_736 : vector<1x60xf32> to vector<32x60xf32>
    %add3A_738 = arith.addf %dot_general3A_733, %add3A_737 : vector<32x60xf32>
    %swap3A_739 = arith.constant 2 : index
    %swap3A_740 = arith.constant 0 : index
    %swap3A_741 = arith.constant 0 : index
    %swap3A_742 = vector.load %arg11[%swap3A_739, %swap3A_740, %swap3A_741] : memref<8x32x60xf32, #tpu.memory_space<vmem>>, vector<1x32x60xf32>
    %swap3A_743 = vector.shape_cast %swap3A_742 : vector<1x32x60xf32> to vector<32x60xf32>
    %swap3A_744 = vector.shape_cast %add3A_738 : vector<32x60xf32> to vector<1x32x60xf32>
    tpu.vector_store %arg11[%swap3A_739, %swap3A_740, %swap3A_741], %swap3A_744 {strides = array<i32>} : memref<8x32x60xf32, #tpu.memory_space<vmem>>, vector<1x32x60xf32>,
    %get3A_745 = arith.constant 0 : index
    %get3A_746 = arith.constant 0 : index
    %get3A_747 = vector.load %arg9[%get3A_745, %get3A_746] : memref<100x60xf32, #tpu.memory_space<vmem>>, vector<100x60xf32>
    %dot_general3A_748 = arith.constant dense<0.000000e+00> : vector<32x60xf32>
    %dot_general3A_749 = tpu.matmul %max3A_665, %get3A_747, %dot_general3A_748 {dimension_numbers = #tpu.dot_dimension_numbers<[1], [0], [0], [1], [0, 0, 1, 1], [], []>, transpose_lhs_hint = false} : vector<32x100xf32>, vector<100x60xf32>, vector<32x60xf32> -> vector<32x60xf32>
    %get3A_750 = arith.constant 0 : index
    %get3A_751 = arith.constant 0 : index
    %get3A_752 = vector.load %arg10[%get3A_750, %get3A_751] : memref<1x60xf32, #tpu.memory_space<vmem>>, vector<1x60xf32>
    %add3A_753 = vector.broadcast %get3A_752 : vector<1x60xf32> to vector<32x60xf32>
    %add3A_754 = arith.addf %dot_general3A_749, %add3A_753 : vector<32x60xf32>
    %swap3A_755 = arith.constant 3 : index
    %swap3A_756 = arith.constant 0 : index
    %swap3A_757 = arith.constant 0 : index
    %swap3A_758 = vector.load %arg11[%swap3A_755, %swap3A_756, %swap3A_757] : memref<8x32x60xf32, #tpu.memory_space<vmem>>, vector<1x32x60xf32>
    %swap3A_759 = vector.shape_cast %swap3A_758 : vector<1x32x60xf32> to vector<32x60xf32>
    %swap3A_760 = vector.shape_cast %add3A_754 : vector<32x60xf32> to vector<1x32x60xf32>
    tpu.vector_store %arg11[%swap3A_755, %swap3A_756, %swap3A_757], %swap3A_760 {strides = array<i32>} : memref<8x32x60xf32, #tpu.memory_space<vmem>>, vector<1x32x60xf32>,
    %get3A_761 = arith.constant 0 : index
    %get3A_762 = arith.constant 0 : index
    %get3A_763 = vector.load %arg9[%get3A_761, %get3A_762] : memref<100x60xf32, #tpu.memory_space<vmem>>, vector<100x60xf32>
    %dot_general3A_764 = arith.constant dense<0.000000e+00> : vector<32x60xf32>
    %dot_general3A_765 = tpu.matmul %max3A_673, %get3A_763, %dot_general3A_764 {dimension_numbers = #tpu.dot_dimension_numbers<[1], [0], [0], [1], [0, 0, 1, 1], [], []>, transpose_lhs_hint = false} : vector<32x100xf32>, vector<100x60xf32>, vector<32x60xf32> -> vector<32x60xf32>
    %get3A_766 = arith.constant 0 : index
    %get3A_767 = arith.constant 0 : index
    %get3A_768 = vector.load %arg10[%get3A_766, %get3A_767] : memref<1x60xf32, #tpu.memory_space<vmem>>, vector<1x60xf32>
    %add3A_769 = vector.broadcast %get3A_768 : vector<1x60xf32> to vector<32x60xf32>
    %add3A_770 = arith.addf %dot_general3A_765, %add3A_769 : vector<32x60xf32>
    %swap3A_771 = arith.constant 4 : index
    %swap3A_772 = arith.constant 0 : index
    %swap3A_773 = arith.constant 0 : index
    %swap3A_774 = vector.load %arg11[%swap3A_771, %swap3A_772, %swap3A_773] : memref<8x32x60xf32, #tpu.memory_space<vmem>>, vector<1x32x60xf32>
    %swap3A_775 = vector.shape_cast %swap3A_774 : vector<1x32x60xf32> to vector<32x60xf32>
    %swap3A_776 = vector.shape_cast %add3A_770 : vector<32x60xf32> to vector<1x32x60xf32>
    tpu.vector_store %arg11[%swap3A_771, %swap3A_772, %swap3A_773], %swap3A_776 {strides = array<i32>} : memref<8x32x60xf32, #tpu.memory_space<vmem>>, vector<1x32x60xf32>,
    %get3A_777 = arith.constant 0 : index
    %get3A_778 = arith.constant 0 : index
    %get3A_779 = vector.load %arg9[%get3A_777, %get3A_778] : memref<100x60xf32, #tpu.memory_space<vmem>>, vector<100x60xf32>
    %dot_general3A_780 = arith.constant dense<0.000000e+00> : vector<32x60xf32>
    %dot_general3A_781 = tpu.matmul %max3A_681, %get3A_779, %dot_general3A_780 {dimension_numbers = #tpu.dot_dimension_numbers<[1], [0], [0], [1], [0, 0, 1, 1], [], []>, transpose_lhs_hint = false} : vector<32x100xf32>, vector<100x60xf32>, vector<32x60xf32> -> vector<32x60xf32>
    %get3A_782 = arith.constant 0 : index
    %get3A_783 = arith.constant 0 : index
    %get3A_784 = vector.load %arg10[%get3A_782, %get3A_783] : memref<1x60xf32, #tpu.memory_space<vmem>>, vector<1x60xf32>
    %add3A_785 = vector.broadcast %get3A_784 : vector<1x60xf32> to vector<32x60xf32>
    %add3A_786 = arith.addf %dot_general3A_781, %add3A_785 : vector<32x60xf32>
    %swap3A_787 = arith.constant 5 : index
    %swap3A_788 = arith.constant 0 : index
    %swap3A_789 = arith.constant 0 : index
    %swap3A_790 = vector.load %arg11[%swap3A_787, %swap3A_788, %swap3A_789] : memref<8x32x60xf32, #tpu.memory_space<vmem>>, vector<1x32x60xf32>
    %swap3A_791 = vector.shape_cast %swap3A_790 : vector<1x32x60xf32> to vector<32x60xf32>
    %swap3A_792 = vector.shape_cast %add3A_786 : vector<32x60xf32> to vector<1x32x60xf32>
    tpu.vector_store %arg11[%swap3A_787, %swap3A_788, %swap3A_789], %swap3A_792 {strides = array<i32>} : memref<8x32x60xf32, #tpu.memory_space<vmem>>, vector<1x32x60xf32>,
    %get3A_793 = arith.constant 0 : index
    %get3A_794 = arith.constant 0 : index
    %get3A_795 = vector.load %arg9[%get3A_793, %get3A_794] : memref<100x60xf32, #tpu.memory_space<vmem>>, vector<100x60xf32>
    %dot_general3A_796 = arith.constant dense<0.000000e+00> : vector<32x60xf32>
    %dot_general3A_797 = tpu.matmul %max3A_689, %get3A_795, %dot_general3A_796 {dimension_numbers = #tpu.dot_dimension_numbers<[1], [0], [0], [1], [0, 0, 1, 1], [], []>, transpose_lhs_hint = false} : vector<32x100xf32>, vector<100x60xf32>, vector<32x60xf32> -> vector<32x60xf32>
    %get3A_798 = arith.constant 0 : index
    %get3A_799 = arith.constant 0 : index
    %get3A_800 = vector.load %arg10[%get3A_798, %get3A_799] : memref<1x60xf32, #tpu.memory_space<vmem>>, vector<1x60xf32>
    %add3A_801 = vector.broadcast %get3A_800 : vector<1x60xf32> to vector<32x60xf32>
    %add3A_802 = arith.addf %dot_general3A_797, %add3A_801 : vector<32x60xf32>
    %swap3A_803 = arith.constant 6 : index
    %swap3A_804 = arith.constant 0 : index
    %swap3A_805 = arith.constant 0 : index
    %swap3A_806 = vector.load %arg11[%swap3A_803, %swap3A_804, %swap3A_805] : memref<8x32x60xf32, #tpu.memory_space<vmem>>, vector<1x32x60xf32>
    %swap3A_807 = vector.shape_cast %swap3A_806 : vector<1x32x60xf32> to vector<32x60xf32>
    %swap3A_808 = vector.shape_cast %add3A_802 : vector<32x60xf32> to vector<1x32x60xf32>
    tpu.vector_store %arg11[%swap3A_803, %swap3A_804, %swap3A_805], %swap3A_808 {strides = array<i32>} : memref<8x32x60xf32, #tpu.memory_space<vmem>>, vector<1x32x60xf32>,
    %get3A_809 = arith.constant 0 : index
    %get3A_810 = arith.constant 0 : index
    %get3A_811 = vector.load %arg9[%get3A_809, %get3A_810] : memref<100x60xf32, #tpu.memory_space<vmem>>, vector<100x60xf32>
    %dot_general3A_812 = arith.constant dense<0.000000e+00> : vector<32x60xf32>
    %dot_general3A_813 = tpu.matmul %max3A_697, %get3A_811, %dot_general3A_812 {dimension_numbers = #tpu.dot_dimension_numbers<[1], [0], [0], [1], [0, 0, 1, 1], [], []>, transpose_lhs_hint = false} : vector<32x100xf32>, vector<100x60xf32>, vector<32x60xf32> -> vector<32x60xf32>
    %get3A_814 = arith.constant 0 : index
    %get3A_815 = arith.constant 0 : index
    %get3A_816 = vector.load %arg10[%get3A_814, %get3A_815] : memref<1x60xf32, #tpu.memory_space<vmem>>, vector<1x60xf32>
    %add3A_817 = vector.broadcast %get3A_816 : vector<1x60xf32> to vector<32x60xf32>
    %add3A_818 = arith.addf %dot_general3A_813, %add3A_817 : vector<32x60xf32>
    %swap3A_819 = arith.constant 7 : index
    %swap3A_820 = arith.constant 0 : index
    %swap3A_821 = arith.constant 0 : index
    %swap3A_822 = vector.load %arg11[%swap3A_819, %swap3A_820, %swap3A_821] : memref<8x32x60xf32, #tpu.memory_space<vmem>>, vector<1x32x60xf32>
    %swap3A_823 = vector.shape_cast %swap3A_822 : vector<1x32x60xf32> to vector<32x60xf32>
    %swap3A_824 = vector.shape_cast %add3A_818 : vector<32x60xf32> to vector<1x32x60xf32>
    tpu.vector_store %arg11[%swap3A_819, %swap3A_820, %swap3A_821], %swap3A_824 {strides = array<i32>} : memref<8x32x60xf32, #tpu.memory_space<vmem>>, vector<1x32x60xf32>,
    return
  }
  func.func @transform_0(%arg0: i32) -> (i32, i32, i32) {
    %c0_i32 = arith.constant 0 : i32
    %c0_i32_0 = arith.constant 0 : i32
    %c0_i32_1 = arith.constant 0 : i32
    return %arg0, %c0_i32, %c0_i32_0 : i32, i32, i32
  }
  func.func @transform_1(%arg0: i32) -> (i32, i32) {
    %c0_i32 = arith.constant 0 : i32
    %c0_i32_0 = arith.constant 0 : i32
    return %arg0, %c0_i32 : i32, i32
  }
  func.func @transform_2(%arg0: i32) -> (i32, i32) {
    %c0_i32 = arith.constant 0 : i32
    %c0_i32_0 = arith.constant 0 : i32
    %c0_i32_1 = arith.constant 0 : i32
    return %c0_i32, %c0_i32_0 : i32, i32
  }
  func.func @transform_3(%arg0: i32) -> (i32, i32) {
    %c0_i32 = arith.constant 0 : i32
    %c0_i32_0 = arith.constant 0 : i32
    %c0_i32_1 = arith.constant 0 : i32
    return %c0_i32, %c0_i32_0 : i32, i32
  }
  func.func @transform_4(%arg0: i32) -> (i32, i32) {
    %c0_i32 = arith.constant 0 : i32
    %c0_i32_0 = arith.constant 0 : i32
    %c0_i32_1 = arith.constant 0 : i32
    return %c0_i32, %c0_i32_0 : i32, i32
  }
  func.func @transform_5(%arg0: i32) -> (i32, i32) {
    %c0_i32 = arith.constant 0 : i32
    %c0_i32_0 = arith.constant 0 : i32
    %c0_i32_1 = arith.constant 0 : i32
    return %c0_i32, %c0_i32_0 : i32, i32
  }
  func.func @transform_6(%arg0: i32) -> (i32, i32) {
    %c0_i32 = arith.constant 0 : i32
    %c0_i32_0 = arith.constant 0 : i32
    %c0_i32_1 = arith.constant 0 : i32
    return %c0_i32, %c0_i32_0 : i32, i32
  }
  func.func @transform_7(%arg0: i32) -> (i32, i32) {
    %c0_i32 = arith.constant 0 : i32
    %c0_i32_0 = arith.constant 0 : i32
    %c0_i32_1 = arith.constant 0 : i32
    return %c0_i32, %c0_i32_0 : i32, i32
  }
  func.func @transform_8(%arg0: i32) -> (i32, i32) {
    %c0_i32 = arith.constant 0 : i32
    %c0_i32_0 = arith.constant 0 : i32
    %c0_i32_1 = arith.constant 0 : i32
    return %c0_i32, %c0_i32_0 : i32, i32
  }
  func.func @transform_9(%arg0: i32) -> (i32, i32) {
    %c0_i32 = arith.constant 0 : i32
    %c0_i32_0 = arith.constant 0 : i32
    %c0_i32_1 = arith.constant 0 : i32
    return %c0_i32, %c0_i32_0 : i32, i32
  }
  func.func @transform_10(%arg0: i32) -> (i32, i32, i32) {
    %c0_i32 = arith.constant 0 : i32
    %c0_i32_0 = arith.constant 0 : i32
    %c0_i32_1 = arith.constant 0 : i32
    return %arg0, %c0_i32, %c0_i32_0 : i32, i32, i32
  }
}

</mosaic_0001>

<sc_bundles>
// kernel: kernel.6.cloned.1.call-start
scs
__scs_entry_jumppad:
0x0: {  	(pc) =	sbr.rel $0x88, $3  }
0x1: {  	(tag) =	ssettag $0x0;
	lr =	simm.s32 $0x1  }
0x2: {  	[smem:$0x3F93] =	sst lr;
	_ =	strace $0xD0000000  }
0x3: {  	_ = 	snop  }
0x4: {  	_ = 	snop  }
0x5: {  	_ = 	snop  }
0x6: {  	_ = 	snop  }
0x7: {  	_ = 	snop  }
__scs_overlays_trampoline_lowered:
0x8: {  	[smem:$0x3FA2] =	sst s0  }
0x9: {  	[smem:$0x3FA3] =	sst s1  }
0xa: {  	[smem:$0x3FA4] =	sst s2  }
0xb: {  	[smem:$0x3FA5] =	sst s3  }
0xc: {  	[smem:$0x3FA6] =	sst s4  }
0xd: {  	[smem:$0x3FA7] =	sst s5  }
0xe: {  	[smem:$0x3FA8] =	sst s6  }
0xf: {  	[smem:$0x3FA9] =	sst s7  }
0x10: {  	[smem:$0x3FAA] =	sst s8  }
0x11: {  	[smem:$0x3FAB] =	sst s9;
	s0 =	simm.s32 @!p0 $0x0  }
0x12: {  	s1 =	sld [smem:$0x3F91];
	s0 =	simm.s32 @p0 $0x1  }
0x13: {  	[smem:$0x3FAC] =	sst s0;
	s0 =	simm.s32 @!p1 $0x0  }
0x14: {  	s2 =	sld [smem:$0x3F90];
	s0 =	simm.s32 @p1 $0x1  }
0x15: {  	[smem:$0x3FAD] =	sst s0;
	s0 =	simm.s32 @!p2 $0x0  }
0x16: {  	s3 =	sld [smem:$0x3FDB];
	s0 =	simm.s32 @p2 $0x1  }
0x17: {  	s4 =	simm.s32 $0x1BF5;
	[smem:$0x3FAF] =	sst s0  }
0x18: {  	s0 =	sld [smem:$0x3F92];
	_ =	swait.ge [sflag:s4], $0x0  }
0x19: {  	s7 =	sld [smem:$0x3F93]  }
0x1a: {  	s8 =	sadd.s32 $0xFFFFE003, lr  }
0x1b: {  	s9 =	sadd.s32 $0xFFFFFEF7, lr;
	s5 =	simm.s32 $0xFFFFFFFF;
	p2 =	slt.u32 s8, $0xFFFFF086  }
0x1c: {  	p1 =	slt.u32 s9, $0xF7A;
	s5 =	simm.s32 @!p2 $0x0  }
0x1d: {  	s5 =	simm.s32 @p1 $0x1;
	p0 =	seq.s32 s7, s2  }
0x1e: {  	s7 =	smul.u32 @!p0 $0xF7A, s2;
	p2 =	seq.s32 @!p0 s5, $0x0  }
0x1f: {  	s9 =	smul.u32 $0xF7A, s1;
	s8 =	simm.s32 @!p0 $0x1BF5;
	p2 =	por !p2, p0  }
0x20: {  	[sflag:s8] =	ssyncset.s32 @!p0 $0xFFFFF086;
	s6 =	sadd.s32 @!p0 s3, s7;
	s7 =	simm.s32 @!p0 $0x108  }
0x21: {  	s3 =	sadd.s32 s3, s9;
	s6 =	sadd.s32 @!p0 $0x88, s6;
	s7 =	simm.s32 @p2 $0x1082  }
0x22: {  	[simem:s7], [sflag:s8] =	dma.local @!p0 [hbm:s6], $0xF7A  }
0x23: {  	s9 =	sor.u32 $0xD0000000, s2;
	s6 =	simm.s32 $0x108;
	_ =	swait.ge @!p0 [sflag:s8], $0x0  }
0x24: {  	s3 =	sadd.s32 $0x88, s3;
	s6 =	simm.s32 @!p1 $0x1082;
	[sflag:s4] =	ssyncset.s32 $0xFFFFF086  }
0x25: {  	[simem:s6], [sflag:s4] =	dma.local [hbm:s3], $0xF7A  }
0x26: {  	[smem:$0x3F93] =	sst s1;
	(tag) =	ssettag s2;
	_ =	strace s9  }
0x27: {  	s1 =	sld [smem:$0x3FA3]  }
0x28: {  	s2 =	sld [smem:$0x3FA4]  }
0x29: {  	s4 =	sld [smem:$0x3FA6]  }
0x2a: {  	p0 =	seq.s32 s5, $0x0;
	s5 =	sld [smem:$0x3FA7]  }
0x2b: {  	s6 =	sld [smem:$0x3FA8]  }
0x2c: {  	s7 =	sld [smem:$0x3FA9]  }
0x2d: {  	s3 =	simm.s32 $0x108;
	s8 =	sld [smem:$0x3FAA]  }
0x2e: {  	s3 =	simm.s32 @!p0 $0x1082;
	s9 =	sld [smem:$0x3FAB]  }
0x2f: {  	lr =	sadd.s32 s0, s3;
	s0 =	sld [smem:$0x3FA2]  }
0x30: {  	s3 =	sld [smem:$0x3FA5]  }
0x31: {  	[smem:$0x3FAE] =	sst s10  }
0x32: {  	s10 =	sld [smem:$0x3FAC];
	_ =	sdelay $0x3  }
0x33: {  	p0 =	seq.s32 s10, $0x1;
	s10 =	sld [smem:$0x3FAE];
	_ =	sdelay $0x3  }
0x34: {  	[smem:$0x3FAE] =	sst s10  }
0x35: {  	s10 =	sld [smem:$0x3FAD];
	_ =	sdelay $0x3  }
0x36: {  	p1 =	seq.s32 s10, $0x1;
	s10 =	sld [smem:$0x3FAE];
	_ =	sdelay $0x3  }
0x37: {  	[smem:$0x3FAE] =	sst s10  }
0x38: {  	s10 =	sld [smem:$0x3FAF]  }
0x39: {  	_ = 	snop;
	(pc) =	sbr.ind lr, $3  }
0x3a: {  	_ = 	snop  }
0x3b: {  	_ = 	snop  }
0x3c: {  	p2 =	seq.s32 s10, $0x1;
	s10 =	sld [smem:$0x3FAE]  }
0x3d: {  	_ =	shalt  }
0x3e: {  	_ =	shalt  }
0x3f: {  	_ =	shalt  }
0x40: {  	_ =	shalt  }
0x41: {  	_ =	shalt  }
0x42: {  	_ =	shalt  }
0x43: {  	_ =	shalt  }
0x44: {  	_ =	shalt  }
0x45: {  	_ =	shalt  }
0x46: {  	_ =	shalt  }
0x47: {  	_ =	shalt  }
0x48: {  	_ =	shalt  }
0x49: {  	_ =	shalt  }
0x4a: {  	_ =	shalt  }
0x4b: {  	_ =	shalt  }
0x4c: {  	_ =	shalt  }
0x4d: {  	_ =	shalt  }
0x4e: {  	_ =	shalt  }
0x4f: {  	_ =	shalt  }
0x50: {  	_ =	shalt  }
0x51: {  	_ =	shalt  }
0x52: {  	_ =	shalt  }
0x53: {  	_ =	shalt  }
0x54: {  	_ =	shalt  }
0x55: {  	_ =	shalt  }
0x56: {  	_ =	shalt  }
0x57: {  	_ =	shalt  }
0x58: {  	_ =	shalt  }
0x59: {  	_ =	shalt  }
0x5a: {  	_ =	shalt  }
0x5b: {  	_ =	shalt  }
0x5c: {  	_ =	shalt  }
0x5d: {  	_ =	shalt  }
0x5e: {  	_ =	shalt  }
0x5f: {  	_ =	shalt  }
0x60: {  	_ =	shalt  }
0x61: {  	_ =	shalt  }
0x62: {  	_ =	shalt  }
0x63: {  	_ =	shalt  }
0x64: {  	_ =	shalt  }
0x65: {  	_ =	shalt  }
0x66: {  	_ =	shalt  }
0x67: {  	_ =	shalt  }
0x68: {  	_ =	shalt  }
0x69: {  	_ =	shalt  }
0x6a: {  	_ =	shalt  }
0x6b: {  	_ =	shalt  }
0x6c: {  	_ =	shalt  }
0x6d: {  	_ =	shalt  }
0x6e: {  	_ =	shalt  }
0x6f: {  	_ =	shalt  }
0x70: {  	_ =	shalt  }
0x71: {  	_ =	shalt  }
0x72: {  	_ =	shalt  }
0x73: {  	_ =	shalt  }
0x74: {  	_ =	shalt  }
0x75: {  	_ =	shalt  }
0x76: {  	_ =	shalt  }
0x77: {  	_ =	shalt  }
0x78: {  	_ =	shalt  }
0x79: {  	_ =	shalt  }
0x7a: {  	_ =	shalt  }
0x7b: {  	_ =	shalt  }
0x7c: {  	_ =	shalt  }
0x7d: {  	_ =	shalt  }
0x7e: {  	_ =	shalt  }
0x7f: {  	_ =	shalt  }
0x80: {  	_ =	shalt  }
0x81: {  	_ =	shalt  }
0x82: {  	_ =	shalt  }
0x83: {  	_ =	shalt  }
0x84: {  	_ =	shalt  }
0x85: {  	_ =	shalt  }
0x86: {  	_ =	shalt  }
0x87: {  	_ =	shalt  }
.Lfunc_end0:
.L_simem_size_0:
called_computation_lowered:
.L_overlay_start_0:
0x88: {  	s2 =	sld [smem:$0x3FD9]  }
0x89: {  	s3 =	sld [smem:$0x3FFE];
	_ =	sdelay $0x1  }
0x8a: {  	s1 =	srdreg.scid  }
0x8b: {  	s0 =	sand.u32 $0x1, s1  }
0x8c: {  	s17 =	sshll.u32 s0, $0xA;
	s2 =	sadd.s32 s3, s2  }
0x8d: {  	s2 =	sadd.s32 s2, s17  }
0x8e: {  	[smem:$0x3FBA] =	sst s2  }
0x8f: {  	_ = 	snop  }
0x90: {  	s18 =	sld [smem:$0x3FC8]  }
0x91: {  	s4 =	sld [smem:$0x3FC7];
	(tm) =	ssettm $0x1  }
0x92: {  	s19 =	sld [smem:$0x3FFB];
	_ =	sdelay $0x3  }
0x93: {  	_ =	strace s19  }
0x94: {  	s2 =	sld [smem:$0x3FFC];
	_ =	sdelay $0x3  }
0x95: {  	_ =	strace s2  }
0x96: {  	s2 =	sld [smem:$0x3FFD];
	_ =	sdelay $0x3  }
0x97: {  	_ =	strace s2  }
0x98: {  	_ =	strace $0x8FFFFFFF  }
0x99: {  	s20 =	sld [smem:$0x3FDB];
	_ =	sdelay $0x1  }
0x9a: {  	s5 =	simm.s32 $_scs_section_size  }
0x9b: {  	s6 =	simm.s32 $_size__tile_overlayer_lowered;
	s7 =	simm.s32 $_tile_overlayer_lowered  }
0x9c: {  	s8 =	simm.s32 $0x1BFF;
	s21 =	sshll.u32 s7, $0x1;
	s5 =	sadd.s32 s5, s20  }
0x9d: {  	s22 =	simm.s32 $0x0;
	s6 =	sshll.u32 s6, $0x1;
	s7 =	sadd.s32 s21, s5  }
0x9e: {  	[timem:s22], [sflag:s8] =	dma.local [hbm:s7], s6  }
0x9f: {  	_ =	swait.ge [sflag:s8], s6  }
0xa0: {  	s6 =	ssub.s32 $0x0, s6;
	[sflag:s8] =	ssyncset.done $0x0  }
0xa1: {  	[sflag:s8] =	ssyncadd.s32 s6;
	_ =	sdelay $0x1  }
0xa2: {  	s23 =	simm.s32 $0x1B8B  }
0xa3: {  	_ =	swait.ge [sflag:s23], $0x1  }
0xa4: {  	[sflag:s23] =	ssyncset.done $0x0  }
0xa5: {  	[sflag:s23] =	ssyncadd.s32 $0xFFFFFFFF  }
0xa6: {  	s6 =	sld [smem:$0x0]  }
0xa7: {  	s7 =	sand.u32 $0xFFFFFFFE, s1  }
0xa8: {  	p0 =	sne.s32 s1, s7  }
0xa9: {  	s7 =	sshll.u32 @p0 s7, $0xE  }
0xaa: {  	s7 =	sadd.s32 @p0 $0x11B8D, s7;
	s8 =	sshll.u32 @p0 s6, $0x11  }
0xab: {  	s7 =	sor.u32 @p0 s8, s7  }
0xac: {  	[sflag:s7] =	ssyncadd.remote.s32 @p0 $0x1;
	_ =	sdelay $0x1  }
0xad: {  	s7 =	simm.s32 @p0 $0x1B8D  }
0xae: {  	_ =	swait.eq @p0 [sflag:s7], $0x1  }
0xaf: {  	[sflag:s7] =	ssyncadd.s32 @p0 $0xFFFFFFFF  }
0xb0: {  	s8 =	sshll.u32 @!p0 s1, $0xE  }
0xb1: {  	s8 =	sor.u32 @!p0 $0x4000, s8;
	s7 =	simm.s32 @!p0 $0x1B8D  }
0xb2: {  	s6 =	sshll.u32 @!p0 s6, $0x11;
	s8 =	sadd.s32 @!p0 $0x11B8D, s8;
	_ =	swait.eq @!p0 [sflag:s7], $0x1  }
0xb3: {  	s6 =	sor.u32 @!p0 s6, s8;
	[sflag:s7] =	ssyncadd.s32 @!p0 $0xFFFFFFFF  }
0xb4: {  	s25 =	simm.s32 $0x1B8E;
	s24 =	sld [smem:$0x3FFE];
	[sflag:s6] =	ssyncadd.remote.s32 @!p0 $0x1  }
0xb5: {  	s26 =	simm.s32 $execute0_lowered;
	[smem:$0x3FD2] =	sst s25  }
0xb6: {  	s7 =	sshll.u32 s26, $0x1;
	_ =	strace $0x80000049;
	[dreg:$0x1] =	wrdreg $0xFFFFFFFF  }
0xb7: {  	s28 =	simm.s32 $_size_execute0_lowered;
	s5 =	sadd.s32 s5, s7;
	[dreg:$0x0] =	wrdreg $0x0  }
0xb8: {  	s7 =	sshll.u32 s28, $0x1;
	[dreg:$0x2] =	wrdreg s5  }
0xb9: {  	[dreg:$0x3] =	wrdreg s7  }
0xba: {  	[dreg:$0x4] =	wrdreg $0xC0  }
0xbb: {  	_ =	task [dreg:s22], $0x5FFFF  }
0xbc: {  	[dreg:$0x1] =	wrdreg $0xFFFFFFFF  }
0xbd: {  	[dreg:$0x0] =	wrdreg $0x60  }
0xbe: {  	[dreg:$0x2] =	wrdreg s18  }
0xbf: {  	[dreg:$0x3] =	wrdreg s4  }
0xc0: {  	[dreg:$0x4] =	wrdreg s24  }
0xc1: {  	[dreg:$0x5] =	wrdreg $0x9  }
0xc2: {  	_ =	task.clear_ibuf [dreg:s22], $0x6FFFF;
	_ =	strace $0x90000049  }
0xc3: {  	s29 =	simm.s32 $0x9;
	_ =	strace $0x8000004B  }
0xc4: {  	_ =	swait.ge [sflag:s29], $0x1  }
0xc5: {  	[sflag:s29] =	ssyncadd.s32 $0xFFFFFFFF  }
0xc6: {  	_ =	strace $0x9000004B  }
0xc7: {  	_ =	sfence  }
0xc8: {  	s30 =	sld [smem:$0x0];
	_ =	sdelay $0x2  }
0xc9: {  	s31 =	sshll.u32 s1, $0xD;
	s1 =	sshrl.u32 s1, $0x2  }
0xca: {  	s4 =	sand.u32 $0x4000, s31;
	s1 =	sadd.s32 s1, s30  }
0xcb: {  	s0 =	sor.u32 s4, s0;
	s1 =	sshll.u32 s1, $0x11  }
0xcc: {  	s0 =	sor.u32 s1, s0  }
0xcd: {  	s0 =	sadd.s32 $0x8F2B, s0  }
0xce: {  	[sflag:s0] =	ssyncadd.remote.s32 $0x1  }
0xcf: {  	_ =	sfence.sel $0xFFFF  }
0xd0: {  	[dreg:$0x0] =	wrdreg $0xFFFFFFFF;
	(pc) =	sbr.abs _section_cstart, $3  }
0xd1: {  	[dreg:$0x1] =	wrdreg $0xFFFFFFFF  }
0xd2: {  	_ =	task.clear_ibuf [dreg:s22], $0x2FFFF;
	_ =	strace $0x9FFFFFFF  }
0xd3: {  	(tm) =	ssettm $0x7FFFFFFF  }
tec
execute0_lowered:
.L_overlay_start_1:
0x0: {  	(tag) =	ssettag $0x1  }
0x1: {  	s3 =	rddreg [dreg:$0x0]  }
0x2: {  	s1 =	srdreg.scid;
	s5 =	rddreg [dreg:$0x1]  }
0x3: {  	s0 =	stileid.u32;
	s6 =	rddreg [dreg:$0x2]  }
0x4: {  	s2 =	simm.s32 $0x0;
	s11 =	simm.s32 $0x400;
	s12 =	simm.s32 $0x4300  }
0x5: {  	s13 =	simm.s32 $0x1;
	s14 =	simm.s32 $0x6480;
	s15 =	simm.s32 $0x2  }
0x6: {  	s4 =	sand.u32 $0x1, s1;
	s30 =	sshll.u32 s0, $0x1;
	s10 =	sshrl.u32 s0, $0x2  }
0x7: {  	s1 =	rddreg [dreg:$0x3];
	s7 =	sor.u32 s4, s30;
	s10 =	smul.u32 $0x10C00, s10  }
0x8: {  	s16 =	simm.s32 $0x0;
	[smem:$0x7FF] =	sst s2;
	s8 =	smul.u32 $0x3300, s7  }
0x9: {  	s4 =	ssub.s32 $0x2, s4;
	s9 =	smul.u32 $0x860, s7;
	s7 =	sshll.u32 s7, $0x7  }
0xa: {  	_ =	strace $0x8000004A;
	s31 =	sshrl.u32 s4, $0x1;
	s7 =	sand.u32 $0x380, s7  }
0xb: {  	s6 =	sadd.s32 s8, s6;
	s3 =	sadd.s32 s3, s9;
	s7 =	sor.u32 s10, s7  }
0xc: {  	s8 =	ssub.s32 s4, s31;
	s9 =	simm.s32 $0x100;
	s10 =	simm.s32 $0x2180  }
0xd: {  	s4 =	sadd.s32 $0x10, s3;
	s7 =	sshrl.u32 s7, $0x3;
	s6 =	sadd.s32 $0x68C00, s6  }
0xe: {  	v0 =	vimm.f32 $0.0e+00;
	s5 =	sadd.s32 s5, s7;
	s7 =	smax.u32 s8, $0x1;
	s8 =	simm.s32 $0x80  }
.LBB2_1:
0xf: {  	[tilespmem:s2], [sflag:$0x1] =	stream.strided.gather [hbm4b:s3+s8], $0x2180, s9, s8, $0x38;
	[tilespmem:$0x1FC80] =	vst v63  }
0x10: {  	s17 =	simm.s32 $0x0  }
0x11: {  	s17 =	smul.u32 $0x3000, s17  }
0x12: {  	[tilespmem:s10], [sflag:$0x1] =	stream.strided.gather [hbm4b:s4+s8], $0x2180, s9, s8, $0x38;
	[tilespmem:$0x1FC80] =	vst v63  }
0x13: {  	s18 =	sand.u32 $0x380, s2;
	s17 =	sshra.s32 s17, $0x2  }
0x14: {  	[tilespmem:s12], [sflag:$0x1] =	stream.strided.gather [hbm4b:s5+s8], $0x2180, s11, s8, $0x38;
	[tilespmem:$0x1FC80] =	vst v63  }
0x15: {  	s17 =	sor.u32 s18, s17  }
0x16: {  	[tilespmem:s17+$0x6C80] =	vst v0  }
0x17: {  	[tilespmem:s17+$0x6480] =	vst v0  }
0x18: {  	[tilespmem:s17+$0x6490] =	vst v0  }
0x19: {  	[tilespmem:s17+$0x64A0] =	vst v0  }
0x1a: {  	[tilespmem:s17+$0x64B0] =	vst v0  }
0x1b: {  	[tilespmem:s17+$0x64C0] =	vst v0  }
0x1c: {  	[tilespmem:s17+$0x64D0] =	vst v0  }
0x1d: {  	[tilespmem:s17+$0x64E0] =	vst v0  }
0x1e: {  	[tilespmem:s17+$0x64F0] =	vst v0  }
0x1f: {  	[tilespmem:s17+$0x6880] =	vst v0  }
0x20: {  	[tilespmem:s17+$0x6890] =	vst v0  }
0x21: {  	[tilespmem:s17+$0x68A0] =	vst v0  }
0x22: {  	s20 =	simm.s32 $0x0;
	s19 =	simm.s32 $0x2;
	s18 =	simm.s32 $0x0;
	[tilespmem:s17+$0x68B0] =	vst v0  }
.LBB2_2:
0x23: {  	p0 =	sne.s32 s19, $0x10F;
	s20 =	smul.u32 $0x3000, s20;
	[tilespmem:s17+$0x68C0] =	vst v0  }
0x24: {  	s18 =	sadd.s32 $0x80, s18;
	[tilespmem:s17+$0x68D0] =	vst v0  }
0x25: {  	s21 =	sand.u32 $0x380, s18;
	s20 =	sshra.s32 s20, $0x2;
	[tilespmem:s17+$0x68E0] =	vst v0  }
0x26: {  	[tilespmem:s17+$0x68F0] =	vst v0;
	s17 =	sor.u32 s21, s20  }
0x27: {  	[tilespmem:s17+$0x6C80] =	vst v0  }
0x28: {  	[tilespmem:s17+$0x6480] =	vst v0  }
0x29: {  	[tilespmem:s17+$0x6490] =	vst v0  }
0x2a: {  	[tilespmem:s17+$0x64A0] =	vst v0  }
0x2b: {  	[tilespmem:s17+$0x64B0] =	vst v0  }
0x2c: {  	[tilespmem:s17+$0x64C0] =	vst v0  }
0x2d: {  	[tilespmem:s17+$0x64D0] =	vst v0  }
0x2e: {  	[tilespmem:s17+$0x64E0] =	vst v0  }
.Ltmp0:
0x2f: {  	[tilespmem:s17+$0x64F0] =	vst v0;
	(pc) =	sbr.rel @p0 .LBB2_2-.Ltmp0, $4  }
0x30: {  	[tilespmem:s17+$0x6880] =	vst v0  }
0x31: {  	[tilespmem:s17+$0x6890] =	vst v0  }
0x32: {  	[tilespmem:s17+$0x68A0] =	vst v0  }
0x33: {  	s20 =	sshrl.u32 s19, $0x3;
	s19 =	sadd.s32 $0x1, s19;
	[tilespmem:s17+$0x68B0] =	vst v0  }
0x34: {  	s19 =	smul.u32 $0x3000, s20;
	[tilespmem:s17+$0x68C0] =	vst v0  }
0x35: {  	[tilespmem:s17+$0x68D0] =	vst v0;
	s18 =	sadd.s32 $0x80, s18  }
0x36: {  	[tilespmem:s17+$0x68E0] =	vst v0;
	s18 =	sand.u32 $0x380, s18;
	s19 =	sshra.s32 s19, $0x2  }
0x37: {  	[tilespmem:s17+$0x68F0] =	vst v0;
	s18 =	sor.u32 s18, s19  }
0x38: {  	[tilespmem:s18+$0x6C80] =	vst v0  }
0x39: {  	[tilespmem:s18+$0x6480] =	vst v0  }
0x3a: {  	[tilespmem:s18+$0x6490] =	vst v0  }
0x3b: {  	[tilespmem:s18+$0x64A0] =	vst v0  }
0x3c: {  	[tilespmem:s18+$0x64B0] =	vst v0  }
0x3d: {  	[tilespmem:s18+$0x64C0] =	vst v0  }
0x3e: {  	[tilespmem:s18+$0x64D0] =	vst v0  }
0x3f: {  	[tilespmem:s18+$0x64E0] =	vst v0  }
0x40: {  	[tilespmem:s18+$0x64F0] =	vst v0  }
0x41: {  	[tilespmem:s18+$0x6880] =	vst v0  }
0x42: {  	[tilespmem:s18+$0x6890] =	vst v0  }
0x43: {  	[tilespmem:s18+$0x68A0] =	vst v0  }
0x44: {  	[tilespmem:s18+$0x68B0] =	vst v0  }
0x45: {  	[tilespmem:s18+$0x68C0] =	vst v0  }
0x46: {  	[tilespmem:s18+$0x68D0] =	vst v0  }
0x47: {  	[tilespmem:s18+$0x68E0] =	vst v0  }
0x48: {  	[tilespmem:s18+$0x68F0] =	vst v0  }
0x49: {  	_ =	swait.ge [sflag:s13], $0x2180  }
0x4a: {  	[sflag:s13] =	ssyncset.done $0x0  }
0x4b: {  	[sflag:s13] =	ssyncadd.s32 $0xFFFFDE80  }
0x4c: {  	_ =	swait.ge [sflag:s13], $0x2180  }
0x4d: {  	[sflag:s13] =	ssyncset.done $0x0  }
0x4e: {  	[sflag:s13] =	ssyncadd.s32 $0xFFFFDE80  }
0x4f: {  	_ =	swait.ge [sflag:s13], $0x2180  }
0x50: {  	[sflag:s13] =	ssyncset.done $0x0  }
0x51: {  	s31 =	simm.s32 $0x21A0;
	[sflag:s13] =	ssyncadd.s32 $0xFFFFDE80  }
0x52: {  	s17 =	simm.s32 $0x20;
	v4 =	vld [tilespmem:s31+$0x10]  }
0x53: {  	v5 =	vld [tilespmem:s17+$0x10]  }
0x54: {  	v6 =	vld [tilespmem:s31+$0xFFFFFFE0]  }
0x55: {  	v7 =	vld [tilespmem:s31+$0xFFFFFFF0]  }
0x56: {  	v8 =	vld [tilespmem:s31+$0x0]  }
0x57: {  	v2 =	vld [tilespmem:s17+$0xFFFFFFF0];
	v3 =	vshrl.u32 v4, $0x3  }
0x58: {  	v1 =	vld [tilespmem:s17+$0x0];
	v10 =	vshll.u32 v5, $0x3;
	v9 =	vmul.u32 $0xC00, v3  }
0x59: {  	v11 =	vshrl.u32 v6, $0x3;
	v4 =	vshll.u32 v4, $0x7;
	v3 =	vld [tilespmem:s17+$0xFFFFFFE0];
	v10 =	vand.u32 $0xFFFFFC00, v10  }
0x5a: {  	v12 =	vshrl.u32 v7, $0x3;
	v4 =	vand.u32 $0x380, v4;
	v9 =	vadd.s32 v10, v9  }
0x5b: {  	s18 =	simm.s32 $0x4320;
	v5 =	vand.u32 $0x7F, v5;
	v7 =	vshll.u32 v7, $0x7;
	v4 =	vor.u32 v4, v9  }
0x5c: {  	v13 =	vld [tilespmem:s18+$0x10];
	v10 =	vshrl.u32 v8, $0x3;
	v9 =	vmul.u32 $0xC00, v11;
	v14 =	vor.u32 v5, v4  }
0x5d: {  	v11 =	vmul.u32 $0xC00, v12;
	v15 =	vmul.u32 $0xC00, v10;
	v10 =	vshll.u32 v1, $0x3  }
0x5e: {  	v5 =	vshll.u32 v2, $0x3;
	v4 =	vld [tilespmem:s18+$0xFFFFFFE0];
	v17 =	vand.u32 $0xFFFFFC00, v10;
	v12 =	vshll.u32 v3, $0x3  }
0x5f: {  	v16 =	vand.u32 $0xFFFFFC00, v5;
	v10 =	vand.u32 $0xFFFFFC00, v12;
	v12 =	vshll.u32 v6, $0x7;
	v6 =	vld [tilespmem:s18+$0x0]  }
0x60: {  	v8 =	vshll.u32 v8, $0x7;
	v5 =	vld [tilespmem:s18+$0xFFFFFFF0];
	v9 =	vadd.s32 v10, v9;
	v10 =	vadd.s32 v16, v11  }
0x61: {  	s20 =	simm.s32 $0x21E0;
	s19 =	simm.s32 $0x0;
	v11 =	vand.u32 $0x380, v12;
	v12 =	vand.u32 $0x380, v7;
	v7 =	vadd.s32 v17, v15;
	[tilespmem:v14+s14+$0x0] =	vst.idx.add.f32.msk $0xffff, v13  }
.LBB2_4:
0x62: {  	v13 =	vld [tilespmem:s20+$0x10];
	s19 =	sadd.s32 $0x4, s19;
	v9 =	vor.u32 v11, v9;
	v10 =	vor.u32 v12, v10;
	v8 =	vand.u32 $0x380, v8;
	s17 =	sadd.s32 $0x40, s17  }
0x63: {  	v3 =	vand.u32 $0x7F, v3;
	v2 =	vand.u32 $0x7F, v2;
	v11 =	vld [tilespmem:s17+$0x10];
	p0 =	slt.u32 s19, $0x214;
	v7 =	vor.u32 v8, v7  }
0x64: {  	v1 =	vand.u32 $0x7F, v1;
	v9 =	vor.u32 v3, v9;
	v10 =	vor.u32 v2, v10;
	v8 =	vld [tilespmem:s20+$0xFFFFFFE0];
	v12 =	vmovc v6  }
0x65: {  	v7 =	vor.u32 v1, v7;
	v6 =	vld [tilespmem:s20+$0xFFFFFFF0]  }
0x66: {  	v14 =	vld [tilespmem:s20+$0x0]  }
0x67: {  	v2 =	vld [tilespmem:s17+$0xFFFFFFF0];
	v3 =	vshrl.u32 v13, $0x3  }
0x68: {  	v1 =	vld [tilespmem:s17+$0x0];
	v15 =	vmul.u32 $0xC00, v3;
	v16 =	vshll.u32 v11, $0x3  }
0x69: {  	v13 =	vshll.u32 v13, $0x7;
	v3 =	vld [tilespmem:s17+$0xFFFFFFE0];
	v17 =	vshrl.u32 v8, $0x3;
	v16 =	vand.u32 $0xFFFFFC00, v16  }
0x6a: {  	v13 =	vand.u32 $0x380, v13;
	v18 =	vshrl.u32 v6, $0x3;
	v15 =	vadd.s32 v16, v15;
	[tilespmem:v9+s14+$0x0] =	vst.idx.add.f32.msk $0xffff, v4  }
0x6b: {  	s18 =	sadd.s32 $0x40, s18;
	v4 =	vand.u32 $0x7F, v11;
	v9 =	vshrl.u32 v14, $0x3;
	v11 =	vor.u32 v13, v15;
	[tilespmem:v10+s14+$0x0] =	vst.idx.add.f32.msk $0xffff, v5  }
0x6c: {  	v10 =	vmul.u32 $0xC00, v17;
	v13 =	vmul.u32 $0xC00, v18;
	v15 =	vld [tilespmem:s18+$0x10];
	v16 =	vor.u32 v4, v11  }
.Ltmp1:
0x6d: {  	v11 =	vshll.u32 v2, $0x3;
	v17 =	vmul.u32 $0xC00, v9;
	v4 =	vld [tilespmem:s18+$0xFFFFFFE0];
	v9 =	vshll.u32 v1, $0x3;
	(pc) =	sbr.rel @p0 .LBB2_4-.Ltmp1, $4  }
0x6e: {  	v11 =	vand.u32 $0xFFFFFC00, v11;
	v18 =	vshll.u32 v3, $0x3;
	v5 =	vld [tilespmem:s18+$0xFFFFFFF0];
	v19 =	vand.u32 $0xFFFFFC00, v9  }
0x6f: {  	v20 =	vshll.u32 v6, $0x7;
	v9 =	vand.u32 $0xFFFFFC00, v18;
	v18 =	vshll.u32 v8, $0x7;
	v6 =	vld [tilespmem:s18+$0x0]  }
0x70: {  	v8 =	vshll.u32 v14, $0x7;
	v9 =	vadd.s32 v9, v10;
	v10 =	vadd.s32 v11, v13;
	[tilespmem:v7+s14+$0x0] =	vst.idx.add.f32.msk $0xffff, v12  }
0x71: {  	s20 =	sadd.s32 $0x40, s20;
	v11 =	vand.u32 $0x380, v18;
	v12 =	vand.u32 $0x380, v20;
	v7 =	vadd.s32 v19, v17;
	[tilespmem:v16+s14+$0x0] =	vst.idx.add.f32.msk $0xffff, v15  }
0x72: {  	v9 =	vor.u32 v11, v9;
	v10 =	vor.u32 v12, v10;
	v3 =	vand.u32 $0x7F, v3  }
0x73: {  	v8 =	vand.u32 $0x380, v8;
	v2 =	vand.u32 $0x7F, v2;
	v3 =	vor.u32 v3, v9  }
0x74: {  	v1 =	vand.u32 $0x7F, v1;
	v7 =	vor.u32 v8, v7;
	v2 =	vor.u32 v2, v10  }
0x75: {  	v1 =	vor.u32 v1, v7;
	_ =	sdelay $0x2  }
0x76: {  	s16 =	sadd.s32 $0x1, s16;
	[tilespmem:v3+s14+$0x0] =	vst.idx.add.f32.msk $0xffff, v4  }
0x77: {  	p0 =	sne.s32 s16, s7;
	[tilespmem:v2+s14+$0x0] =	vst.idx.add.f32.msk $0xffff, v5  }
.Ltmp2:
0x78: {  	[tilespmem:v1+s14+$0x0] =	vst.idx.add.f32.msk $0xffff, v6;
	(pc) =	sbr.rel @p0 .LBB2_1-.Ltmp2, $4  }
0x79: {  	[hbm4b:s6+s2] =	stream.linear.scatter [tilespmem:s14], [sflag:$0x2], $0x19800, $0x38;
	[tilespmem:$0x1FC80] =	vst v63  }
0x7a: {  	_ =	swait.ge [sflag:s15], $0x19800  }
0x7b: {  	[sflag:s15] =	ssyncset.done $0x0  }
0x7c: {  	[sflag:s15] =	ssyncadd.s32 $0xFFFE6800  }
0x7d: {  	_ =	sfence.sel $0x180000  }
0x7e: {  	[bflag:$0x0] =	sbarrier.arrive $0xFFFF  }
0x7f: {  	p0 =	sne.s32 s0, $0x0;
	_ =	strace $0x9000004A  }
0x80: {  	s0 =	sadd.s32 @!p0 $0x100000, s1;
	[bflag:$0x2] =	sbarrier.arrive $0xFFFF  }
0x81: {  	[sflag:s0] =	ssyncadd.tile.s32 @!p0 $0x1;
	_ =	shalt  }
.Lfunc_end2:
_tile_overlayer_lowered:
.L_overlay_start_2:
0x82: {  	(tag) =	ssettag $0x2  }
0x83: {  	s0 =	rddreg [dreg:$0x0];
	s2 =	stileid.u32  }
0x84: {  	s1 =	rddreg [dreg:$0x1];
	p0 =	sne.s32 s2, $0x0  }
0x85: {  	s3 =	rddreg [dreg:$0x2];
	[bflag:$0x3] =	sbarrier.arrive $0xFFFF;
	s2 =	simm.s32 @!p0 $0x1C02  }
0x86: {  	[timem:s3], [sflag:s2] =	dma.local @!p0 [hbm:s0], s1  }
0x87: {  	s0 =	simm.s32 @!p0 $0x2  }
0x88: {  	_ =	swait.ge @!p0 [sflag:s0], s1  }
0x89: {  	s1 =	ssub.s32 @!p0 $0x0, s1;
	[sflag:s0] =	ssyncset.done @!p0 $0x0  }
0x8a: {  	[sflag:s0] =	ssyncadd.s32 @!p0 s1  }
0x8b: {  	[bflag:$0x3] =	sbarrier.arrive $0xFFFF  }
0x8c: {  	_ =	shalt  }

// kernel: kernel.9.cloned.1.call-start
scs
__scs_entry_jumppad:
0x0: {  	(pc) =	sbr.rel $0x88, $3  }
0x1: {  	(tag) =	ssettag $0x0;
	lr =	simm.s32 $0x1  }
0x2: {  	[smem:$0x3F93] =	sst lr;
	_ =	strace $0xD0000000  }
0x3: {  	_ = 	snop  }
0x4: {  	_ = 	snop  }
0x5: {  	_ = 	snop  }
0x6: {  	_ = 	snop  }
0x7: {  	_ = 	snop  }
__scs_overlays_trampoline_lowered:
0x8: {  	[smem:$0x3FA2] =	sst s0  }
0x9: {  	[smem:$0x3FA3] =	sst s1  }
0xa: {  	[smem:$0x3FA4] =	sst s2  }
0xb: {  	[smem:$0x3FA5] =	sst s3  }
0xc: {  	[smem:$0x3FA6] =	sst s4  }
0xd: {  	[smem:$0x3FA7] =	sst s5  }
0xe: {  	[smem:$0x3FA8] =	sst s6  }
0xf: {  	[smem:$0x3FA9] =	sst s7  }
0x10: {  	[smem:$0x3FAA] =	sst s8  }
0x11: {  	[smem:$0x3FAB] =	sst s9;
	s0 =	simm.s32 @!p0 $0x0  }
0x12: {  	s1 =	sld [smem:$0x3F91];
	s0 =	simm.s32 @p0 $0x1  }
0x13: {  	[smem:$0x3FAC] =	sst s0;
	s0 =	simm.s32 @!p1 $0x0  }
0x14: {  	s2 =	sld [smem:$0x3F90];
	s0 =	simm.s32 @p1 $0x1  }
0x15: {  	[smem:$0x3FAD] =	sst s0;
	s0 =	simm.s32 @!p2 $0x0  }
0x16: {  	s3 =	sld [smem:$0x3FDB];
	s0 =	simm.s32 @p2 $0x1  }
0x17: {  	s4 =	simm.s32 $0x1BF5;
	[smem:$0x3FAF] =	sst s0  }
0x18: {  	s0 =	sld [smem:$0x3F92];
	_ =	swait.ge [sflag:s4], $0x0  }
0x19: {  	s7 =	sld [smem:$0x3F93]  }
0x1a: {  	s8 =	sadd.s32 $0xFFFFE003, lr  }
0x1b: {  	s9 =	sadd.s32 $0xFFFFFEF7, lr;
	s5 =	simm.s32 $0xFFFFFFFF;
	p2 =	slt.u32 s8, $0xFFFFF086  }
0x1c: {  	p1 =	slt.u32 s9, $0xF7A;
	s5 =	simm.s32 @!p2 $0x0  }
0x1d: {  	s5 =	simm.s32 @p1 $0x1;
	p0 =	seq.s32 s7, s2  }
0x1e: {  	s7 =	smul.u32 @!p0 $0xF7A, s2;
	p2 =	seq.s32 @!p0 s5, $0x0  }
0x1f: {  	s9 =	smul.u32 $0xF7A, s1;
	s8 =	simm.s32 @!p0 $0x1BF5;
	p2 =	por !p2, p0  }
0x20: {  	[sflag:s8] =	ssyncset.s32 @!p0 $0xFFFFF086;
	s6 =	sadd.s32 @!p0 s3, s7;
	s7 =	simm.s32 @!p0 $0x108  }
0x21: {  	s3 =	sadd.s32 s3, s9;
	s6 =	sadd.s32 @!p0 $0x88, s6;
	s7 =	simm.s32 @p2 $0x1082  }
0x22: {  	[simem:s7], [sflag:s8] =	dma.local @!p0 [hbm:s6], $0xF7A  }
0x23: {  	s9 =	sor.u32 $0xD0000000, s2;
	s6 =	simm.s32 $0x108;
	_ =	swait.ge @!p0 [sflag:s8], $0x0  }
0x24: {  	s3 =	sadd.s32 $0x88, s3;
	s6 =	simm.s32 @!p1 $0x1082;
	[sflag:s4] =	ssyncset.s32 $0xFFFFF086  }
0x25: {  	[simem:s6], [sflag:s4] =	dma.local [hbm:s3], $0xF7A  }
0x26: {  	[smem:$0x3F93] =	sst s1;
	(tag) =	ssettag s2;
	_ =	strace s9  }
0x27: {  	s1 =	sld [smem:$0x3FA3]  }
0x28: {  	s2 =	sld [smem:$0x3FA4]  }
0x29: {  	s4 =	sld [smem:$0x3FA6]  }
0x2a: {  	p0 =	seq.s32 s5, $0x0;
	s5 =	sld [smem:$0x3FA7]  }
0x2b: {  	s6 =	sld [smem:$0x3FA8]  }
0x2c: {  	s7 =	sld [smem:$0x3FA9]  }
0x2d: {  	s3 =	simm.s32 $0x108;
	s8 =	sld [smem:$0x3FAA]  }
0x2e: {  	s3 =	simm.s32 @!p0 $0x1082;
	s9 =	sld [smem:$0x3FAB]  }
0x2f: {  	lr =	sadd.s32 s0, s3;
	s0 =	sld [smem:$0x3FA2]  }
0x30: {  	s3 =	sld [smem:$0x3FA5]  }
0x31: {  	[smem:$0x3FAE] =	sst s10  }
0x32: {  	s10 =	sld [smem:$0x3FAC];
	_ =	sdelay $0x3  }
0x33: {  	p0 =	seq.s32 s10, $0x1;
	s10 =	sld [smem:$0x3FAE];
	_ =	sdelay $0x3  }
0x34: {  	[smem:$0x3FAE] =	sst s10  }
0x35: {  	s10 =	sld [smem:$0x3FAD];
	_ =	sdelay $0x3  }
0x36: {  	p1 =	seq.s32 s10, $0x1;
	s10 =	sld [smem:$0x3FAE];
	_ =	sdelay $0x3  }
0x37: {  	[smem:$0x3FAE] =	sst s10  }
0x38: {  	s10 =	sld [smem:$0x3FAF]  }
0x39: {  	_ = 	snop;
	(pc) =	sbr.ind lr, $3  }
0x3a: {  	_ = 	snop  }
0x3b: {  	_ = 	snop  }
0x3c: {  	p2 =	seq.s32 s10, $0x1;
	s10 =	sld [smem:$0x3FAE]  }
0x3d: {  	_ =	shalt  }
0x3e: {  	_ =	shalt  }
0x3f: {  	_ =	shalt  }
0x40: {  	_ =	shalt  }
0x41: {  	_ =	shalt  }
0x42: {  	_ =	shalt  }
0x43: {  	_ =	shalt  }
0x44: {  	_ =	shalt  }
0x45: {  	_ =	shalt  }
0x46: {  	_ =	shalt  }
0x47: {  	_ =	shalt  }
0x48: {  	_ =	shalt  }
0x49: {  	_ =	shalt  }
0x4a: {  	_ =	shalt  }
0x4b: {  	_ =	shalt  }
0x4c: {  	_ =	shalt  }
0x4d: {  	_ =	shalt  }
0x4e: {  	_ =	shalt  }
0x4f: {  	_ =	shalt  }
0x50: {  	_ =	shalt  }
0x51: {  	_ =	shalt  }
0x52: {  	_ =	shalt  }
0x53: {  	_ =	shalt  }
0x54: {  	_ =	shalt  }
0x55: {  	_ =	shalt  }
0x56: {  	_ =	shalt  }
0x57: {  	_ =	shalt  }
0x58: {  	_ =	shalt  }
0x59: {  	_ =	shalt  }
0x5a: {  	_ =	shalt  }
0x5b: {  	_ =	shalt  }
0x5c: {  	_ =	shalt  }
0x5d: {  	_ =	shalt  }
0x5e: {  	_ =	shalt  }
0x5f: {  	_ =	shalt  }
0x60: {  	_ =	shalt  }
0x61: {  	_ =	shalt  }
0x62: {  	_ =	shalt  }
0x63: {  	_ =	shalt  }
0x64: {  	_ =	shalt  }
0x65: {  	_ =	shalt  }
0x66: {  	_ =	shalt  }
0x67: {  	_ =	shalt  }
0x68: {  	_ =	shalt  }
0x69: {  	_ =	shalt  }
0x6a: {  	_ =	shalt  }
0x6b: {  	_ =	shalt  }
0x6c: {  	_ =	shalt  }
0x6d: {  	_ =	shalt  }
0x6e: {  	_ =	shalt  }
0x6f: {  	_ =	shalt  }
0x70: {  	_ =	shalt  }
0x71: {  	_ =	shalt  }
0x72: {  	_ =	shalt  }
0x73: {  	_ =	shalt  }
0x74: {  	_ =	shalt  }
0x75: {  	_ =	shalt  }
0x76: {  	_ =	shalt  }
0x77: {  	_ =	shalt  }
0x78: {  	_ =	shalt  }
0x79: {  	_ =	shalt  }
0x7a: {  	_ =	shalt  }
0x7b: {  	_ =	shalt  }
0x7c: {  	_ =	shalt  }
0x7d: {  	_ =	shalt  }
0x7e: {  	_ =	shalt  }
0x7f: {  	_ =	shalt  }
0x80: {  	_ =	shalt  }
0x81: {  	_ =	shalt  }
0x82: {  	_ =	shalt  }
0x83: {  	_ =	shalt  }
0x84: {  	_ =	shalt  }
0x85: {  	_ =	shalt  }
0x86: {  	_ =	shalt  }
0x87: {  	_ =	shalt  }
.Lfunc_end0:
.L_simem_size_0:
called_computation.1_lowered:
.L_overlay_start_0:
0x88: {  	s2 =	sld [smem:$0x3FD9]  }
0x89: {  	s3 =	sld [smem:$0x3FFE];
	_ =	sdelay $0x1  }
0x8a: {  	s1 =	srdreg.scid  }
0x8b: {  	s0 =	sand.u32 $0x1, s1  }
0x8c: {  	s17 =	sshll.u32 s0, $0xA;
	s2 =	sadd.s32 s3, s2  }
0x8d: {  	s2 =	sadd.s32 s2, s17  }
0x8e: {  	[smem:$0x3FBA] =	sst s2  }
0x8f: {  	_ = 	snop  }
0x90: {  	s2 =	sld [smem:$0x3FC5]  }
0x91: {  	s18 =	sld [smem:$0x3FC4];
	(tm) =	ssettm $0x1  }
0x92: {  	s4 =	sld [smem:$0x3FFB];
	_ =	sdelay $0x3  }
0x93: {  	_ =	strace s4  }
0x94: {  	s4 =	sld [smem:$0x3FFC];
	_ =	sdelay $0x3  }
0x95: {  	_ =	strace s4  }
0x96: {  	s4 =	sld [smem:$0x3FFD];
	_ =	sdelay $0x3  }
0x97: {  	_ =	strace s4  }
0x98: {  	_ =	strace $0x8FFFFFFF  }
0x99: {  	s19 =	sld [smem:$0x3FDB];
	_ =	sdelay $0x1  }
0x9a: {  	s5 =	simm.s32 $_scs_section_size  }
0x9b: {  	s6 =	simm.s32 $_size__tile_overlayer_lowered;
	s7 =	simm.s32 $_tile_overlayer_lowered  }
0x9c: {  	s22 =	simm.s32 $0x1BFF;
	s21 =	sshll.u32 s7, $0x1;
	s4 =	sadd.s32 s5, s19  }
0x9d: {  	s8 =	simm.s32 $0x0;
	s20 =	sshll.u32 s6, $0x1;
	s6 =	sadd.s32 s21, s4  }
0x9e: {  	[timem:s8], [sflag:s22] =	dma.local [hbm:s6], s20  }
0x9f: {  	_ =	swait.ge [sflag:s22], s20  }
0xa0: {  	s5 =	ssub.s32 $0x0, s20;
	[sflag:s22] =	ssyncset.done $0x0  }
0xa1: {  	[sflag:s22] =	ssyncadd.s32 s5;
	_ =	sdelay $0x1  }
0xa2: {  	s23 =	simm.s32 $0x1B8B  }
0xa3: {  	_ =	swait.ge [sflag:s23], $0x1  }
0xa4: {  	[sflag:s23] =	ssyncset.done $0x0  }
0xa5: {  	s25 =	simm.s32 $0x1B8E;
	s24 =	sld [smem:$0x3FFE];
	[sflag:s23] =	ssyncadd.s32 $0xFFFFFFFF  }
0xa6: {  	s26 =	simm.s32 $execute0_lowered;
	[smem:$0x3FD2] =	sst s25  }
0xa7: {  	s6 =	sshll.u32 s26, $0x1;
	_ =	strace $0x80000046;
	[dreg:$0x1] =	wrdreg $0xFFFFFFFF  }
0xa8: {  	s28 =	simm.s32 $_size_execute0_lowered;
	s4 =	sadd.s32 s4, s6;
	[dreg:$0x0] =	wrdreg $0x0  }
0xa9: {  	s6 =	sshll.u32 s28, $0x1;
	[dreg:$0x2] =	wrdreg s4  }
0xaa: {  	[dreg:$0x3] =	wrdreg s6  }
0xab: {  	[dreg:$0x4] =	wrdreg $0xC0  }
0xac: {  	_ =	task [dreg:s8], $0x5FFFF  }
0xad: {  	[dreg:$0x1] =	wrdreg $0xFFFFFFFF  }
0xae: {  	[dreg:$0x0] =	wrdreg $0x60  }
0xaf: {  	[dreg:$0x2] =	wrdreg s2  }
0xb0: {  	[dreg:$0x3] =	wrdreg s18  }
0xb1: {  	[dreg:$0x4] =	wrdreg s24  }
0xb2: {  	[dreg:$0x5] =	wrdreg $0xA  }
0xb3: {  	_ =	task.clear_ibuf [dreg:s8], $0x6FFFF;
	_ =	strace $0x90000046  }
0xb4: {  	s29 =	simm.s32 $0xA;
	_ =	strace $0x80000048  }
0xb5: {  	_ =	swait.ge [sflag:s29], $0x1  }
0xb6: {  	[sflag:s29] =	ssyncadd.s32 $0xFFFFFFFF  }
0xb7: {  	_ =	strace $0x90000048  }
0xb8: {  	_ =	sfence  }
0xb9: {  	s30 =	sld [smem:$0x0];
	_ =	sdelay $0x2  }
0xba: {  	s31 =	sshll.u32 s1, $0xD;
	s1 =	sshrl.u32 s1, $0x2  }
0xbb: {  	s3 =	sand.u32 $0x4000, s31;
	s1 =	sadd.s32 s1, s30  }
0xbc: {  	s0 =	sor.u32 s3, s0;
	s1 =	sshll.u32 s1, $0x11  }
0xbd: {  	s0 =	sor.u32 s1, s0  }
0xbe: {  	s0 =	sadd.s32 $0x8F2B, s0  }
0xbf: {  	[sflag:s0] =	ssyncadd.remote.s32 $0x1  }
0xc0: {  	_ =	sfence.sel $0xFFFF  }
0xc1: {  	[dreg:$0x0] =	wrdreg $0xFFFFFFFF;
	(pc) =	sbr.abs _section_cstart, $3  }
0xc2: {  	[dreg:$0x1] =	wrdreg $0xFFFFFFFF  }
0xc3: {  	_ =	task.clear_ibuf [dreg:s8], $0x2FFFF;
	_ =	strace $0x9FFFFFFF  }
0xc4: {  	(tm) =	ssettm $0x7FFFFFFF  }
0xc5: {  	_ =	shalt  }
tec
execute0_lowered:
.L_overlay_start_1:
0x0: {  	(tag) =	ssettag $0x1  }
0x1: {  	s3 =	rddreg [dreg:$0x0]  }
0x2: {  	s1 =	srdreg.scid;
	s5 =	rddreg [dreg:$0x1]  }
0x3: {  	s0 =	stileid.u32;
	s6 =	rddreg [dreg:$0x2]  }
0x4: {  	s2 =	simm.s32 $0x0;
	s11 =	simm.s32 $0x400;
	s12 =	simm.s32 $0x4300  }
0x5: {  	s13 =	simm.s32 $0x1;
	s14 =	simm.s32 $0x6480;
	s15 =	simm.s32 $0x2  }
0x6: {  	s4 =	sand.u32 $0x1, s1;
	s30 =	sshll.u32 s0, $0x1;
	s10 =	sshrl.u32 s0, $0x2  }
0x7: {  	s1 =	rddreg [dreg:$0x3];
	s7 =	sor.u32 s4, s30;
	s10 =	smul.u32 $0x10C00, s10  }
0x8: {  	s16 =	simm.s32 $0x0;
	[smem:$0x7FF] =	sst s2;
	s8 =	smul.u32 $0x3300, s7  }
0x9: {  	s4 =	ssub.s32 $0x2, s4;
	s9 =	smul.u32 $0x860, s7;
	s7 =	sshll.u32 s7, $0x7  }
0xa: {  	_ =	strace $0x80000047;
	s31 =	sshrl.u32 s4, $0x1;
	s7 =	sand.u32 $0x380, s7  }
0xb: {  	s6 =	sadd.s32 s8, s6;
	s3 =	sadd.s32 s3, s9;
	s7 =	sor.u32 s10, s7  }
0xc: {  	s8 =	ssub.s32 s4, s31;
	s9 =	simm.s32 $0x100;
	s10 =	simm.s32 $0x2180  }
0xd: {  	s4 =	sadd.s32 $0x10, s3;
	s7 =	sshrl.u32 s7, $0x3;
	s6 =	sadd.s32 $0x2C00, s6  }
0xe: {  	v0 =	vimm.f32 $0.0e+00;
	s5 =	sadd.s32 s5, s7;
	s7 =	smax.u32 s8, $0x1;
	s8 =	simm.s32 $0x80  }
.LBB2_1:
0xf: {  	[tilespmem:s2], [sflag:$0x1] =	stream.strided.gather [hbm4b:s3+s8], $0x2180, s9, s8, $0x38;
	[tilespmem:$0x1FC80] =	vst v63  }
0x10: {  	s17 =	simm.s32 $0x0  }
0x11: {  	s17 =	smul.u32 $0x3000, s17  }
0x12: {  	[tilespmem:s10], [sflag:$0x1] =	stream.strided.gather [hbm4b:s4+s8], $0x2180, s9, s8, $0x38;
	[tilespmem:$0x1FC80] =	vst v63  }
0x13: {  	s18 =	sand.u32 $0x380, s2;
	s17 =	sshra.s32 s17, $0x2  }
0x14: {  	[tilespmem:s12], [sflag:$0x1] =	stream.strided.gather [hbm4b:s5+s8], $0x2180, s11, s8, $0x38;
	[tilespmem:$0x1FC80] =	vst v63  }
0x15: {  	s17 =	sor.u32 s18, s17  }
0x16: {  	[tilespmem:s17+$0x6C80] =	vst v0  }
0x17: {  	[tilespmem:s17+$0x6480] =	vst v0  }
0x18: {  	[tilespmem:s17+$0x6490] =	vst v0  }
0x19: {  	[tilespmem:s17+$0x64A0] =	vst v0  }
0x1a: {  	[tilespmem:s17+$0x64B0] =	vst v0  }
0x1b: {  	[tilespmem:s17+$0x64C0] =	vst v0  }
0x1c: {  	[tilespmem:s17+$0x64D0] =	vst v0  }
0x1d: {  	[tilespmem:s17+$0x64E0] =	vst v0  }
0x1e: {  	[tilespmem:s17+$0x64F0] =	vst v0  }
0x1f: {  	[tilespmem:s17+$0x6880] =	vst v0  }
0x20: {  	[tilespmem:s17+$0x6890] =	vst v0  }
0x21: {  	[tilespmem:s17+$0x68A0] =	vst v0  }
0x22: {  	s20 =	simm.s32 $0x0;
	s19 =	simm.s32 $0x2;
	s18 =	simm.s32 $0x0;
	[tilespmem:s17+$0x68B0] =	vst v0  }
.LBB2_2:
0x23: {  	p0 =	sne.s32 s19, $0x10F;
	s20 =	smul.u32 $0x3000, s20;
	[tilespmem:s17+$0x68C0] =	vst v0  }
0x24: {  	s18 =	sadd.s32 $0x80, s18;
	[tilespmem:s17+$0x68D0] =	vst v0  }
0x25: {  	s21 =	sand.u32 $0x380, s18;
	s20 =	sshra.s32 s20, $0x2;
	[tilespmem:s17+$0x68E0] =	vst v0  }
0x26: {  	[tilespmem:s17+$0x68F0] =	vst v0;
	s17 =	sor.u32 s21, s20  }
0x27: {  	[tilespmem:s17+$0x6C80] =	vst v0  }
0x28: {  	[tilespmem:s17+$0x6480] =	vst v0  }
0x29: {  	[tilespmem:s17+$0x6490] =	vst v0  }
0x2a: {  	[tilespmem:s17+$0x64A0] =	vst v0  }
0x2b: {  	[tilespmem:s17+$0x64B0] =	vst v0  }
0x2c: {  	[tilespmem:s17+$0x64C0] =	vst v0  }
0x2d: {  	[tilespmem:s17+$0x64D0] =	vst v0  }
0x2e: {  	[tilespmem:s17+$0x64E0] =	vst v0  }
.Ltmp0:
0x2f: {  	[tilespmem:s17+$0x64F0] =	vst v0;
	(pc) =	sbr.rel @p0 .LBB2_2-.Ltmp0, $4  }
0x30: {  	[tilespmem:s17+$0x6880] =	vst v0  }
0x31: {  	[tilespmem:s17+$0x6890] =	vst v0  }
0x32: {  	[tilespmem:s17+$0x68A0] =	vst v0  }
0x33: {  	s20 =	sshrl.u32 s19, $0x3;
	s19 =	sadd.s32 $0x1, s19;
	[tilespmem:s17+$0x68B0] =	vst v0  }
0x34: {  	s19 =	smul.u32 $0x3000, s20;
	[tilespmem:s17+$0x68C0] =	vst v0  }
0x35: {  	[tilespmem:s17+$0x68D0] =	vst v0;
	s18 =	sadd.s32 $0x80, s18  }
0x36: {  	[tilespmem:s17+$0x68E0] =	vst v0;
	s18 =	sand.u32 $0x380, s18;
	s19 =	sshra.s32 s19, $0x2  }
0x37: {  	[tilespmem:s17+$0x68F0] =	vst v0;
	s18 =	sor.u32 s18, s19  }
0x38: {  	[tilespmem:s18+$0x6C80] =	vst v0  }
0x39: {  	[tilespmem:s18+$0x6480] =	vst v0  }
0x3a: {  	[tilespmem:s18+$0x6490] =	vst v0  }
0x3b: {  	[tilespmem:s18+$0x64A0] =	vst v0  }
0x3c: {  	[tilespmem:s18+$0x64B0] =	vst v0  }
0x3d: {  	[tilespmem:s18+$0x64C0] =	vst v0  }
0x3e: {  	[tilespmem:s18+$0x64D0] =	vst v0  }
0x3f: {  	[tilespmem:s18+$0x64E0] =	vst v0  }
0x40: {  	[tilespmem:s18+$0x64F0] =	vst v0  }
0x41: {  	[tilespmem:s18+$0x6880] =	vst v0  }
0x42: {  	[tilespmem:s18+$0x6890] =	vst v0  }
0x43: {  	[tilespmem:s18+$0x68A0] =	vst v0  }
0x44: {  	[tilespmem:s18+$0x68B0] =	vst v0  }
0x45: {  	[tilespmem:s18+$0x68C0] =	vst v0  }
0x46: {  	[tilespmem:s18+$0x68D0] =	vst v0  }
0x47: {  	[tilespmem:s18+$0x68E0] =	vst v0  }
0x48: {  	[tilespmem:s18+$0x68F0] =	vst v0  }
0x49: {  	_ =	swait.ge [sflag:s13], $0x2180  }
0x4a: {  	[sflag:s13] =	ssyncset.done $0x0  }
0x4b: {  	[sflag:s13] =	ssyncadd.s32 $0xFFFFDE80  }
0x4c: {  	_ =	swait.ge [sflag:s13], $0x2180  }
0x4d: {  	[sflag:s13] =	ssyncset.done $0x0  }
0x4e: {  	[sflag:s13] =	ssyncadd.s32 $0xFFFFDE80  }
0x4f: {  	_ =	swait.ge [sflag:s13], $0x2180  }
0x50: {  	[sflag:s13] =	ssyncset.done $0x0  }
0x51: {  	s31 =	simm.s32 $0x21A0;
	[sflag:s13] =	ssyncadd.s32 $0xFFFFDE80  }
0x52: {  	s17 =	simm.s32 $0x20;
	v4 =	vld [tilespmem:s31+$0x10]  }
0x53: {  	v5 =	vld [tilespmem:s17+$0x10]  }
0x54: {  	v6 =	vld [tilespmem:s31+$0xFFFFFFE0]  }
0x55: {  	v7 =	vld [tilespmem:s31+$0xFFFFFFF0]  }
0x56: {  	v8 =	vld [tilespmem:s31+$0x0]  }
0x57: {  	v2 =	vld [tilespmem:s17+$0xFFFFFFF0];
	v3 =	vshrl.u32 v4, $0x3  }
0x58: {  	v1 =	vld [tilespmem:s17+$0x0];
	v10 =	vshll.u32 v5, $0x3;
	v9 =	vmul.u32 $0xC00, v3  }
0x59: {  	v11 =	vshrl.u32 v6, $0x3;
	v4 =	vshll.u32 v4, $0x7;
	v3 =	vld [tilespmem:s17+$0xFFFFFFE0];
	v10 =	vand.u32 $0xFFFFFC00, v10  }
0x5a: {  	v12 =	vshrl.u32 v7, $0x3;
	v4 =	vand.u32 $0x380, v4;
	v9 =	vadd.s32 v10, v9  }
0x5b: {  	s18 =	simm.s32 $0x4320;
	v5 =	vand.u32 $0x7F, v5;
	v7 =	vshll.u32 v7, $0x7;
	v4 =	vor.u32 v4, v9  }
0x5c: {  	v13 =	vld [tilespmem:s18+$0x10];
	v10 =	vshrl.u32 v8, $0x3;
	v9 =	vmul.u32 $0xC00, v11;
	v14 =	vor.u32 v5, v4  }
0x5d: {  	v11 =	vmul.u32 $0xC00, v12;
	v15 =	vmul.u32 $0xC00, v10;
	v10 =	vshll.u32 v1, $0x3  }
0x5e: {  	v5 =	vshll.u32 v2, $0x3;
	v4 =	vld [tilespmem:s18+$0xFFFFFFE0];
	v17 =	vand.u32 $0xFFFFFC00, v10;
	v12 =	vshll.u32 v3, $0x3  }
0x5f: {  	v16 =	vand.u32 $0xFFFFFC00, v5;
	v10 =	vand.u32 $0xFFFFFC00, v12;
	v12 =	vshll.u32 v6, $0x7;
	v6 =	vld [tilespmem:s18+$0x0]  }
0x60: {  	v8 =	vshll.u32 v8, $0x7;
	v5 =	vld [tilespmem:s18+$0xFFFFFFF0];
	v9 =	vadd.s32 v10, v9;
	v10 =	vadd.s32 v16, v11  }
0x61: {  	s20 =	simm.s32 $0x21E0;
	s19 =	simm.s32 $0x0;
	v11 =	vand.u32 $0x380, v12;
	v12 =	vand.u32 $0x380, v7;
	v7 =	vadd.s32 v17, v15;
	[tilespmem:v14+s14+$0x0] =	vst.idx.add.f32.msk $0xffff, v13  }
.LBB2_4:
0x62: {  	v13 =	vld [tilespmem:s20+$0x10];
	s19 =	sadd.s32 $0x4, s19;
	v9 =	vor.u32 v11, v9;
	v10 =	vor.u32 v12, v10;
	v8 =	vand.u32 $0x380, v8;
	s17 =	sadd.s32 $0x40, s17  }
0x63: {  	v3 =	vand.u32 $0x7F, v3;
	v2 =	vand.u32 $0x7F, v2;
	v11 =	vld [tilespmem:s17+$0x10];
	p0 =	slt.u32 s19, $0x214;
	v7 =	vor.u32 v8, v7  }
0x64: {  	v1 =	vand.u32 $0x7F, v1;
	v9 =	vor.u32 v3, v9;
	v10 =	vor.u32 v2, v10;
	v8 =	vld [tilespmem:s20+$0xFFFFFFE0];
	v12 =	vmovc v6  }
0x65: {  	v7 =	vor.u32 v1, v7;
	v6 =	vld [tilespmem:s20+$0xFFFFFFF0]  }
0x66: {  	v14 =	vld [tilespmem:s20+$0x0]  }
0x67: {  	v2 =	vld [tilespmem:s17+$0xFFFFFFF0];
	v3 =	vshrl.u32 v13, $0x3  }
0x68: {  	v1 =	vld [tilespmem:s17+$0x0];
	v15 =	vmul.u32 $0xC00, v3;
	v16 =	vshll.u32 v11, $0x3  }
0x69: {  	v13 =	vshll.u32 v13, $0x7;
	v3 =	vld [tilespmem:s17+$0xFFFFFFE0];
	v17 =	vshrl.u32 v8, $0x3;
	v16 =	vand.u32 $0xFFFFFC00, v16  }
0x6a: {  	v13 =	vand.u32 $0x380, v13;
	v18 =	vshrl.u32 v6, $0x3;
	v15 =	vadd.s32 v16, v15;
	[tilespmem:v9+s14+$0x0] =	vst.idx.add.f32.msk $0xffff, v4  }
0x6b: {  	s18 =	sadd.s32 $0x40, s18;
	v4 =	vand.u32 $0x7F, v11;
	v9 =	vshrl.u32 v14, $0x3;
	v11 =	vor.u32 v13, v15;
	[tilespmem:v10+s14+$0x0] =	vst.idx.add.f32.msk $0xffff, v5  }
0x6c: {  	v10 =	vmul.u32 $0xC00, v17;
	v13 =	vmul.u32 $0xC00, v18;
	v15 =	vld [tilespmem:s18+$0x10];
	v16 =	vor.u32 v4, v11  }
.Ltmp1:
0x6d: {  	v11 =	vshll.u32 v2, $0x3;
	v17 =	vmul.u32 $0xC00, v9;
	v4 =	vld [tilespmem:s18+$0xFFFFFFE0];
	v9 =	vshll.u32 v1, $0x3;
	(pc) =	sbr.rel @p0 .LBB2_4-.Ltmp1, $4  }
0x6e: {  	v11 =	vand.u32 $0xFFFFFC00, v11;
	v18 =	vshll.u32 v3, $0x3;
	v5 =	vld [tilespmem:s18+$0xFFFFFFF0];
	v19 =	vand.u32 $0xFFFFFC00, v9  }
0x6f: {  	v20 =	vshll.u32 v6, $0x7;
	v9 =	vand.u32 $0xFFFFFC00, v18;
	v18 =	vshll.u32 v8, $0x7;
	v6 =	vld [tilespmem:s18+$0x0]  }
0x70: {  	v8 =	vshll.u32 v14, $0x7;
	v9 =	vadd.s32 v9, v10;
	v10 =	vadd.s32 v11, v13;
	[tilespmem:v7+s14+$0x0] =	vst.idx.add.f32.msk $0xffff, v12  }
0x71: {  	s20 =	sadd.s32 $0x40, s20;
	v11 =	vand.u32 $0x380, v18;
	v12 =	vand.u32 $0x380, v20;
	v7 =	vadd.s32 v19, v17;
	[tilespmem:v16+s14+$0x0] =	vst.idx.add.f32.msk $0xffff, v15  }
0x72: {  	v9 =	vor.u32 v11, v9;
	v10 =	vor.u32 v12, v10;
	v3 =	vand.u32 $0x7F, v3  }
0x73: {  	v8 =	vand.u32 $0x380, v8;
	v2 =	vand.u32 $0x7F, v2;
	v3 =	vor.u32 v3, v9  }
0x74: {  	v1 =	vand.u32 $0x7F, v1;
	v7 =	vor.u32 v8, v7;
	v2 =	vor.u32 v2, v10  }
0x75: {  	v1 =	vor.u32 v1, v7;
	_ =	sdelay $0x2  }
0x76: {  	s16 =	sadd.s32 $0x1, s16;
	[tilespmem:v3+s14+$0x0] =	vst.idx.add.f32.msk $0xffff, v4  }
0x77: {  	p0 =	sne.s32 s16, s7;
	[tilespmem:v2+s14+$0x0] =	vst.idx.add.f32.msk $0xffff, v5  }
.Ltmp2:
0x78: {  	[tilespmem:v1+s14+$0x0] =	vst.idx.add.f32.msk $0xffff, v6;
	(pc) =	sbr.rel @p0 .LBB2_1-.Ltmp2, $4  }
0x79: {  	[hbm4b:s6+s2] =	stream.linear.scatter [tilespmem:s14], [sflag:$0x2], $0x19800, $0x38;
	[tilespmem:$0x1FC80] =	vst v63  }
0x7a: {  	_ =	swait.ge [sflag:s15], $0x19800  }
0x7b: {  	[sflag:s15] =	ssyncset.done $0x0  }
0x7c: {  	[sflag:s15] =	ssyncadd.s32 $0xFFFE6800  }
0x7d: {  	_ =	sfence.sel $0x180000  }
0x7e: {  	[bflag:$0x0] =	sbarrier.arrive $0xFFFF  }
0x7f: {  	p0 =	sne.s32 s0, $0x0;
	_ =	strace $0x90000047  }
0x80: {  	s0 =	sadd.s32 @!p0 $0x100000, s1;
	[bflag:$0x2] =	sbarrier.arrive $0xFFFF  }
0x81: {  	[sflag:s0] =	ssyncadd.tile.s32 @!p0 $0x1;
	_ =	shalt  }
.Lfunc_end2:
_tile_overlayer_lowered:
.L_overlay_start_2:
0x82: {  	(tag) =	ssettag $0x2  }
0x83: {  	s0 =	rddreg [dreg:$0x0];
	s2 =	stileid.u32  }
0x84: {  	s1 =	rddreg [dreg:$0x1];
	p0 =	sne.s32 s2, $0x0  }
0x85: {  	s3 =	rddreg [dreg:$0x2];
	[bflag:$0x3] =	sbarrier.arrive $0xFFFF;
	s2 =	simm.s32 @!p0 $0x1C02  }
0x86: {  	[timem:s3], [sflag:s2] =	dma.local @!p0 [hbm:s0], s1  }
0x87: {  	s0 =	simm.s32 @!p0 $0x2  }
0x88: {  	_ =	swait.ge @!p0 [sflag:s0], s1  }
0x89: {  	s1 =	ssub.s32 @!p0 $0x0, s1;
	[sflag:s0] =	ssyncset.done @!p0 $0x0  }
0x8a: {  	[sflag:s0] =	ssyncadd.s32 @!p0 s1  }
0x8b: {  	[bflag:$0x3] =	sbarrier.arrive $0xFFFF  }
0x8c: {  	_ =	shalt  }

</sc_bundles>
